<compile_context>
chip_gen: v7x
topology: tpu7x:2x2x1
jax: 0.10.2.dev20260603
libtpu: 0.0.44.dev20260713+nightly
codegen_flags: <defaults>
</compile_context>

<pallas_src>
import functools

import jax
import jax.numpy as jnp
from jax import lax
from jax.experimental import pallas as pl
from jax.experimental.pallas import tpu as pltpu
from jax.experimental.pallas import tpu_sc as plsc

_N = 10000
_E = 320000
_D = 128
_NW = 32
_CPW = _D // _NW
_EPW = _E // _NW
_PCHUNK = 2000
_PGROUPS = _PCHUNK // 16
_PCH = _EPW // _PCHUNK
_CHUNK = 8000
_NCHUNK = _E // _CHUNK
_GROUPS = _CHUNK // 16
_NVEC = _N // 16

_mesh = plsc.VectorSubcoreMesh(core_axis_name="c", subcore_axis_name="s")
_params = pltpu.CompilerParams(needs_layout_passes=False)


@functools.partial(
    pl.kernel,
    out_type=(
        jax.ShapeDtypeStruct((_E,), jnp.int32),
        jax.ShapeDtypeStruct((_E,), jnp.float32),
    ),
    mesh=_mesh,
    compiler_params=_params,
    scratch_types=[
        pltpu.VMEM((_N,), jnp.float32),
        pltpu.VMEM((_PCHUNK,), jnp.int32),
        pltpu.VMEM((_PCHUNK,), jnp.int32),
        pltpu.VMEM((_PCHUNK,), jnp.float32),
        pltpu.VMEM((_PCHUNK,), jnp.int32),
        pltpu.VMEM((_PCHUNK,), jnp.float32),
    ],
)
def _prep_sc(srcr, dstr, enr, nnr, pkr, cnr, nnv, sbuf, dbuf, ebuf, opk, ocn):
    wid = lax.axis_index("s") * 2 + lax.axis_index("c")
    pltpu.sync_copy(nnr, nnv)
    base = pl.multiple_of(wid * _EPW, 8)

    def chunk_body(k, _):
        off = pl.multiple_of(base + k * _PCHUNK, 8)
        pltpu.sync_copy(srcr.at[pl.ds(off, _PCHUNK)], sbuf)
        pltpu.sync_copy(dstr.at[pl.ds(off, _PCHUNK)], dbuf)
        pltpu.sync_copy(enr.at[pl.ds(off, _PCHUNK)], ebuf)

        @plsc.parallel_loop(0, _PGROUPS, 1, unroll=2)
        def g_body(g):
            o = pl.multiple_of(g * 16, 16)
            s = sbuf[pl.ds(o, 16)]
            d = dbuf[pl.ds(o, 16)]
            e = ebuf[pl.ds(o, 16)]
            cn = plsc.load_gather(nnv, [s]) * plsc.load_gather(nnv, [d]) * e
            opk[pl.ds(o, 16)] = jnp.bitwise_or(s, jnp.left_shift(d, 16))
            ocn[pl.ds(o, 16)] = cn

        pltpu.sync_copy(opk, pkr.at[pl.ds(off, _PCHUNK)])
        pltpu.sync_copy(ocn, cnr.at[pl.ds(off, _PCHUNK)])
        return 0

    lax.fori_loop(0, _PCH, chunk_body, 0)


@functools.partial(
    pl.kernel,
    out_type=jax.ShapeDtypeStruct((_NW, 16), jnp.float32),
    mesh=_mesh,
    compiler_params=_params,
    scratch_types=[
        pltpu.VMEM((_CPW * _N,), jnp.float32),
        pltpu.VMEM((_CPW * _N,), jnp.float32),
        pltpu.VMEM((2 * _CHUNK,), jnp.int32),
        pltpu.VMEM((2 * _CHUNK,), jnp.float32),
        pltpu.VMEM((16,), jnp.float32),
        pltpu.SemaphoreType.DMA,
    ],
)
def _main_sc(xT, pkr, cnr, out, xv, hv, pbuf, cbuf, ov, sem):
    wid = lax.axis_index("s") * 2 + lax.axis_index("c")

    for c in range(_CPW):
        off = pl.multiple_of((wid * _CPW + c) * _N, 8)
        pltpu.sync_copy(xT.at[pl.ds(off, _N)], xv.at[pl.ds(c * _N, _N)])

    zeros = jnp.zeros((16,), jnp.float32)

    def zbody(i, _):
        hv[pl.ds(pl.multiple_of(i * 16, 16), 16)] = zeros
        return 0

    lax.fori_loop(0, _CPW * _NVEC, zbody, 0)

    pltpu.async_copy(pkr.at[pl.ds(0, _CHUNK)], pbuf.at[pl.ds(0, _CHUNK)], sem)
    pltpu.async_copy(cnr.at[pl.ds(0, _CHUNK)], cbuf.at[pl.ds(0, _CHUNK)], sem)

    def chunk_body(ci, _):
        sbase = pl.multiple_of(lax.rem(ci, 2) * _CHUNK, 8)
        pltpu.make_async_copy(
            pkr.at[pl.ds(0, _CHUNK)], pbuf.at[pl.ds(sbase, _CHUNK)], sem
        ).wait()
        pltpu.make_async_copy(
            cnr.at[pl.ds(0, _CHUNK)], cbuf.at[pl.ds(sbase, _CHUNK)], sem
        ).wait()

        @pl.when(ci + 1 < _NCHUNK)
        def _():
            nbase = pl.multiple_of(lax.rem(ci + 1, 2) * _CHUNK, 8)
            noff = pl.multiple_of((ci + 1) * _CHUNK, 8)
            pltpu.async_copy(
                pkr.at[pl.ds(noff, _CHUNK)], pbuf.at[pl.ds(nbase, _CHUNK)], sem
            )
            pltpu.async_copy(
                cnr.at[pl.ds(noff, _CHUNK)], cbuf.at[pl.ds(nbase, _CHUNK)], sem
            )

        @plsc.parallel_loop(0, _GROUPS, 1, unroll=2)
        def g_body(g):
            o = pl.multiple_of(sbase + g * 16, 16)
            p = pbuf[pl.ds(o, 16)]
            cn = cbuf[pl.ds(o, 16)]
            s = jnp.bitwise_and(p, 0xFFFF)
            d = lax.shift_right_logical(p, 16)
            for c in range(_CPW):
                vs = s + (c * _N) if c else s
                vd = d + (c * _N) if c else d
                v = plsc.load_gather(xv, [vs]) * cn
                v = jnp.maximum(v, 0.01 * v)
                plsc.addupdate_scatter(hv, [vd], v)

        return 0

    lax.fori_loop(0, _NCHUNK, chunk_body, 0)

    lanes = lax.iota(jnp.int32, 16)
    row = jnp.zeros((16,), jnp.float32)
    ninf = jnp.full((16,), -jnp.inf, jnp.float32)
    for c in range(_CPW):
        def hbody(i, acc, c=c):
            o = pl.multiple_of(c * _N + i * 16, 16)
            return jnp.maximum(acc, hv[pl.ds(o, 16)])

        def xbody(i, acc, c=c):
            o = pl.multiple_of(c * _N + i * 16, 16)
            return jnp.maximum(acc, xv[pl.ds(o, 16)])

        hm = jnp.max(lax.fori_loop(0, _NVEC, hbody, ninf))
        xm = jnp.max(lax.fori_loop(0, _NVEC, xbody, ninf))
        row = jnp.where(lanes == c, hm, row)
        row = jnp.where(lanes == 8 + c, xm, row)
    ov[...] = row
    pltpu.sync_copy(ov, out.at[wid])


def kernel(x, edge_index, node_norm, edge_norm):
    xT = jnp.transpose(x).reshape(-1)
    src = edge_index[0]
    dst = edge_index[1]
    pk, cn = _prep_sc(src, dst, edge_norm, node_norm)
    rows = _main_sc(xT, pk, cn)
    hmax = rows[:, :_CPW].reshape(_D)
    xmax = rows[:, 8:8 + _CPW].reshape(_D)
    return (0.5 * (hmax + xmax))[None, :]

# --- scband reference (transcript-rebuilt; emitter-appended) ---
"""Pipeline reference for scband-hypergraph-layer-62732292325944 (READ-ONLY COPY).

The authoritative reference and input builder live on the scoring server;
editing this copy changes nothing except your own understanding.
"""

import jax, jax.numpy as jnp
import numpy as np

N = 10000
E = 320000
D = 128
NUM_LAYERS = 1


def setup_inputs(seed: int = 0) -> dict:
    key = jax.random.key(seed)
    k1, k2, k3, k4 = jax.random.split(key, 4)
    x = jax.random.normal(k1, (N, D), dtype=jnp.float32)
    edge_index = jax.random.randint(k2, (2, E), 0, N, dtype=jnp.int32)
    node_norm = jax.random.uniform(k3, (N,), dtype=jnp.float32)
    edge_norm = jax.random.uniform(k4, (E,), dtype=jnp.float32)
    return {"x": x, "edge_index": edge_index, "node_norm": node_norm, "edge_norm": edge_norm}


def reference(x, edge_index, node_norm, edge_norm):
    # DGL HypergraphLayer forward, n_relations=0 (no gather_mm branch).
    # g.ndata['norm'] -> node_norm, g.edata['norm'] -> edge_norm.
    # Single graph, so dgl.readout_nodes(g, 'h', op='max') -> max over nodes, shape [1, D].
    src = edge_index[0]
    dst = edge_index[1]
    h = x
    outs = [jnp.max(h, axis=0, keepdims=True)]
    for l in range(NUM_LAYERS):
        norm = node_norm[src] * node_norm[dst] * edge_norm  # [E]
        m = h[src]  # gather source features [E, D]
        m = m * norm[:, None]
        # LeakyReLU (default negative_slope=0.01)
        m = jnp.where(m >= 0, m, 0.01 * m)
        # fn.sum('m', 'h'): scatter-add messages to destination nodes
        h = jax.ops.segment_sum(m, dst, num_segments=N)
        outs.append(jnp.max(h, axis=0, keepdims=True))
    out = jnp.mean(jnp.stack(outs, axis=0), axis=0)  # [1, D]
    return out

if __name__ == "__main__":
    import jax
    _d = setup_inputs()
    print(jax.jit(kernel)(*tuple(_d.values())))

</pallas_src>

<mosaic_0001>
#map = affine_map<(d0, d1) -> (0)>
module attributes {stable_mosaic.version = 14 : i64} {
  func.func @_prep_sc(%arg0: i32, %arg1: i32, %arg2: memref<320000xi32, #tpu.memory_space<hbm>>, %arg3: memref<320000xi32, #tpu.memory_space<hbm>>, %arg4: memref<320000xf32, #tpu.memory_space<hbm>>, %arg5: memref<10000xf32, #tpu.memory_space<hbm>>, %arg6: memref<320000xi32, #tpu.memory_space<hbm>>, %arg7: memref<320000xf32, #tpu.memory_space<hbm>>, %arg8: memref<10000xf32, #tpu.memory_space<vmem>>, %arg9: memref<2000xi32, #tpu.memory_space<vmem>>, %arg10: memref<2000xi32, #tpu.memory_space<vmem>>, %arg11: memref<2000xf32, #tpu.memory_space<vmem>>, %arg12: memref<2000xi32, #tpu.memory_space<vmem>>, %arg13: memref<2000xf32, #tpu.memory_space<vmem>>) attributes {dimension_semantics = [#tpu.dimension_semantics<core_parallel>, #tpu.dimension_semantics<subcore_parallel>], iteration_bounds = array<i64: 2, 16>, scalar_prefetch = 0 : i64, scratch_operands = 6 : i64, tpu.core_type = #tpu.core_type<sc_vector_subcore>, window_params = [{transform_indices = #map}, {transform_indices = #map}, {transform_indices = #map}, {transform_indices = #map}, {transform_indices = #map}, {transform_indices = #map}]} {
    %mul3A = arith.constant 2 : i32
    %mul3A_0 = arith.muli %arg1, %mul3A : i32
    %add3A = arith.addi %mul3A_0, %arg0 : i32
    "tpu.region"() ({
      %run_scoped3A = tpu.sem_alloc : memref<!tpu.dma_semaphore, #tpu.memory_space<semaphore_mem>>
      tpu.enqueue_dma source(%arg5 : memref<10000xf32, #tpu.memory_space<hbm>>) target(%arg8 : memref<10000xf32, #tpu.memory_space<vmem>>) target_semaphore(%run_scoped3A : memref<!tpu.dma_semaphore, #tpu.memory_space<semaphore_mem>>)
      tpu.wait_dma2 semaphore(%run_scoped3A : memref<!tpu.dma_semaphore, #tpu.memory_space<semaphore_mem>>) src(%arg5 : memref<10000xf32, #tpu.memory_space<hbm>>) dst(%arg8 : memref<10000xf32, #tpu.memory_space<vmem>>)
      tpu.yield
    }) : () -> ()
    %mul3A_1 = arith.constant 10000 : i32
    %mul3A_2 = arith.muli %add3A, %mul3A_1 : i32
    %multiple_of3A = tpu.assume_multiple %mul3A_2, 8 : i32
    %scan3A = arith.constant 0 : i32
    %scan3A_3 = arith.constant 0 : i32
    %scan3A_4 = arith.constant 5 : i32
    %scan3A_5 = arith.addi %scan3A_3, %scan3A_4 : i32
    %scan3A_6 = arith.constant 1 : i32
    %scan3A_7 = scf.for %scan3A_9 = %scan3A_3 to %scan3A_5 step %scan3A_6 iter_args(%scan3A_10 = %scan3A) -> (i32)  : i32 {
      %mul3A_11 = arith.constant 2000 : i32
      %mul3A_12 = arith.muli %scan3A_9, %mul3A_11 : i32
      %add3A_13 = arith.addi %multiple_of3A, %mul3A_12 : i32
      %multiple_of3A_14 = tpu.assume_multiple %add3A_13, 8 : i32
      "tpu.region"() ({
        %run_scoped3A = tpu.sem_alloc : memref<!tpu.dma_semaphore, #tpu.memory_space<semaphore_mem>>
        %dma_start3A = tpu.memref_slice %arg2[%multiple_of3A_14] : memref<320000xi32, #tpu.memory_space<hbm>> -> memref<2000xi32, #tpu.memory_space<hbm>>
        %dma_start3A_18 = tpu.memref_slice %arg2[%multiple_of3A_14] : memref<320000xi32, #tpu.memory_space<hbm>> -> memref<2000xi32, #tpu.memory_space<hbm>>
        tpu.enqueue_dma source(%dma_start3A_18 : memref<2000xi32, #tpu.memory_space<hbm>>) target(%arg9 : memref<2000xi32, #tpu.memory_space<vmem>>) target_semaphore(%run_scoped3A : memref<!tpu.dma_semaphore, #tpu.memory_space<semaphore_mem>>)
        %dma_wait3A = tpu.memref_slice %arg2[%multiple_of3A_14] : memref<320000xi32, #tpu.memory_space<hbm>> -> memref<2000xi32, #tpu.memory_space<hbm>>
        %dma_wait3A_19 = tpu.memref_slice %arg2[%multiple_of3A_14] : memref<320000xi32, #tpu.memory_space<hbm>> -> memref<2000xi32, #tpu.memory_space<hbm>>
        tpu.wait_dma2 semaphore(%run_scoped3A : memref<!tpu.dma_semaphore, #tpu.memory_space<semaphore_mem>>) src(%dma_wait3A_19 : memref<2000xi32, #tpu.memory_space<hbm>>) dst(%arg9 : memref<2000xi32, #tpu.memory_space<vmem>>)
        tpu.yield
      }) : () -> ()
      "tpu.region"() ({
        %run_scoped3A = tpu.sem_alloc : memref<!tpu.dma_semaphore, #tpu.memory_space<semaphore_mem>>
        %dma_start3A = tpu.memref_slice %arg3[%multiple_of3A_14] : memref<320000xi32, #tpu.memory_space<hbm>> -> memref<2000xi32, #tpu.memory_space<hbm>>
        %dma_start3A_18 = tpu.memref_slice %arg3[%multiple_of3A_14] : memref<320000xi32, #tpu.memory_space<hbm>> -> memref<2000xi32, #tpu.memory_space<hbm>>
        tpu.enqueue_dma source(%dma_start3A_18 : memref<2000xi32, #tpu.memory_space<hbm>>) target(%arg10 : memref<2000xi32, #tpu.memory_space<vmem>>) target_semaphore(%run_scoped3A : memref<!tpu.dma_semaphore, #tpu.memory_space<semaphore_mem>>)
        %dma_wait3A = tpu.memref_slice %arg3[%multiple_of3A_14] : memref<320000xi32, #tpu.memory_space<hbm>> -> memref<2000xi32, #tpu.memory_space<hbm>>
        %dma_wait3A_19 = tpu.memref_slice %arg3[%multiple_of3A_14] : memref<320000xi32, #tpu.memory_space<hbm>> -> memref<2000xi32, #tpu.memory_space<hbm>>
        tpu.wait_dma2 semaphore(%run_scoped3A : memref<!tpu.dma_semaphore, #tpu.memory_space<semaphore_mem>>) src(%dma_wait3A_19 : memref<2000xi32, #tpu.memory_space<hbm>>) dst(%arg10 : memref<2000xi32, #tpu.memory_space<vmem>>)
        tpu.yield
      }) : () -> ()
      "tpu.region"() ({
        %run_scoped3A = tpu.sem_alloc : memref<!tpu.dma_semaphore, #tpu.memory_space<semaphore_mem>>
        %dma_start3A = tpu.memref_slice %arg4[%multiple_of3A_14] : memref<320000xf32, #tpu.memory_space<hbm>> -> memref<2000xf32, #tpu.memory_space<hbm>>
        %dma_start3A_18 = tpu.memref_slice %arg4[%multiple_of3A_14] : memref<320000xf32, #tpu.memory_space<hbm>> -> memref<2000xf32, #tpu.memory_space<hbm>>
        tpu.enqueue_dma source(%dma_start3A_18 : memref<2000xf32, #tpu.memory_space<hbm>>) target(%arg11 : memref<2000xf32, #tpu.memory_space<vmem>>) target_semaphore(%run_scoped3A : memref<!tpu.dma_semaphore, #tpu.memory_space<semaphore_mem>>)
        %dma_wait3A = tpu.memref_slice %arg4[%multiple_of3A_14] : memref<320000xf32, #tpu.memory_space<hbm>> -> memref<2000xf32, #tpu.memory_space<hbm>>
        %dma_wait3A_19 = tpu.memref_slice %arg4[%multiple_of3A_14] : memref<320000xf32, #tpu.memory_space<hbm>> -> memref<2000xf32, #tpu.memory_space<hbm>>
        tpu.wait_dma2 semaphore(%run_scoped3A : memref<!tpu.dma_semaphore, #tpu.memory_space<semaphore_mem>>) src(%dma_wait3A_19 : memref<2000xf32, #tpu.memory_space<hbm>>) dst(%arg11 : memref<2000xf32, #tpu.memory_space<vmem>>)
        tpu.yield
      }) : () -> ()
      %parallel_loop3A = arith.constant 0 : i32
      %parallel_loop3A_15 = arith.constant 125 : i32
      %parallel_loop3A_16 = arith.constant 1 : i32
      scf.for %parallel_loop3A_18 = %parallel_loop3A to %parallel_loop3A_15 step %parallel_loop3A_16  : i32 {
        %parallel_loop3A_19 = arith.constant 16 : i32
        %parallel_loop3A_20 = arith.muli %parallel_loop3A_18, %parallel_loop3A_19 : i32
        %parallel_loop3A_21 = tpu.assume_multiple %parallel_loop3A_20, 16 : i32
        %parallel_loop3A_22 = arith.index_cast %parallel_loop3A_21 : i32 to index
        %parallel_loop3A_23 = tpu.vector_load %arg9[%parallel_loop3A_22] {strides = array<i32>} : memref<2000xi32, #tpu.memory_space<vmem>>, vector<16xi32>,
        %parallel_loop3A_24 = arith.index_cast %parallel_loop3A_21 : i32 to index
        %parallel_loop3A_25 = tpu.vector_load %arg10[%parallel_loop3A_24] {strides = array<i32>} : memref<2000xi32, #tpu.memory_space<vmem>>, vector<16xi32>,
        %parallel_loop3A_26 = arith.index_cast %parallel_loop3A_21 : i32 to index
        %parallel_loop3A_27 = tpu.vector_load %arg11[%parallel_loop3A_26] {strides = array<i32>} : memref<2000xf32, #tpu.memory_space<vmem>>, vector<16xf32>,
        %parallel_loop3A_28 = tpu.vector_load_idx %arg8[%parallel_loop3A_23] : memref<10000xf32, #tpu.memory_space<vmem>>[vector<16xi32>], vector<16xf32>,
        %parallel_loop3A_29 = tpu.vector_load_idx %arg8[%parallel_loop3A_25] : memref<10000xf32, #tpu.memory_space<vmem>>[vector<16xi32>], vector<16xf32>,
        %parallel_loop3A_30 = arith.mulf %parallel_loop3A_28, %parallel_loop3A_29 : vector<16xf32>
        %parallel_loop3A_31 = arith.mulf %parallel_loop3A_30, %parallel_loop3A_27 : vector<16xf32>
        %parallel_loop3A_32 = arith.constant 16 : i32
        %parallel_loop3A_33 = vector.broadcast %parallel_loop3A_32 : i32 to vector<16xi32>
        %parallel_loop3A_34 = arith.shli %parallel_loop3A_25, %parallel_loop3A_33 : vector<16xi32>
        %parallel_loop3A_35 = arith.ori %parallel_loop3A_23, %parallel_loop3A_34 : vector<16xi32>
        %parallel_loop3A_36 = arith.index_cast %parallel_loop3A_21 : i32 to index
        %parallel_loop3A_37 = tpu.vector_load %arg12[%parallel_loop3A_36] {strides = array<i32>} : memref<2000xi32, #tpu.memory_space<vmem>>, vector<16xi32>,
        tpu.vector_store %arg12[%parallel_loop3A_36], %parallel_loop3A_35 {strides = array<i32>} : memref<2000xi32, #tpu.memory_space<vmem>>, vector<16xi32>,
        %parallel_loop3A_38 = arith.index_cast %parallel_loop3A_21 : i32 to index
        %parallel_loop3A_39 = tpu.vector_load %arg13[%parallel_loop3A_38] {strides = array<i32>} : memref<2000xf32, #tpu.memory_space<vmem>>, vector<16xf32>,
        tpu.vector_store %arg13[%parallel_loop3A_38], %parallel_loop3A_31 {strides = array<i32>} : memref<2000xf32, #tpu.memory_space<vmem>>, vector<16xf32>,
      } {sc.loop_unroll_factor = 2 : i64, sc.parallel_access}
      "tpu.region"() ({
        %run_scoped3A = tpu.sem_alloc : memref<!tpu.dma_semaphore, #tpu.memory_space<semaphore_mem>>
        %dma_start3A = tpu.memref_slice %arg6[%multiple_of3A_14] : memref<320000xi32, #tpu.memory_space<hbm>> -> memref<2000xi32, #tpu.memory_space<hbm>>
        %dma_start3A_18 = tpu.memref_slice %arg6[%multiple_of3A_14] : memref<320000xi32, #tpu.memory_space<hbm>> -> memref<2000xi32, #tpu.memory_space<hbm>>
        tpu.enqueue_dma source(%arg12 : memref<2000xi32, #tpu.memory_space<vmem>>) target(%dma_start3A_18 : memref<2000xi32, #tpu.memory_space<hbm>>) target_semaphore(%run_scoped3A : memref<!tpu.dma_semaphore, #tpu.memory_space<semaphore_mem>>)
        %dma_wait3A = tpu.memref_slice %arg6[%multiple_of3A_14] : memref<320000xi32, #tpu.memory_space<hbm>> -> memref<2000xi32, #tpu.memory_space<hbm>>
        %dma_wait3A_19 = tpu.memref_slice %arg6[%multiple_of3A_14] : memref<320000xi32, #tpu.memory_space<hbm>> -> memref<2000xi32, #tpu.memory_space<hbm>>
        tpu.wait_dma2 semaphore(%run_scoped3A : memref<!tpu.dma_semaphore, #tpu.memory_space<semaphore_mem>>) src(%arg12 : memref<2000xi32, #tpu.memory_space<vmem>>) dst(%dma_wait3A_19 : memref<2000xi32, #tpu.memory_space<hbm>>)
        tpu.yield
      }) : () -> ()
      "tpu.region"() ({
        %run_scoped3A = tpu.sem_alloc : memref<!tpu.dma_semaphore, #tpu.memory_space<semaphore_mem>>
        %dma_start3A = tpu.memref_slice %arg7[%multiple_of3A_14] : memref<320000xf32, #tpu.memory_space<hbm>> -> memref<2000xf32, #tpu.memory_space<hbm>>
        %dma_start3A_18 = tpu.memref_slice %arg7[%multiple_of3A_14] : memref<320000xf32, #tpu.memory_space<hbm>> -> memref<2000xf32, #tpu.memory_space<hbm>>
        tpu.enqueue_dma source(%arg13 : memref<2000xf32, #tpu.memory_space<vmem>>) target(%dma_start3A_18 : memref<2000xf32, #tpu.memory_space<hbm>>) target_semaphore(%run_scoped3A : memref<!tpu.dma_semaphore, #tpu.memory_space<semaphore_mem>>)
        %dma_wait3A = tpu.memref_slice %arg7[%multiple_of3A_14] : memref<320000xf32, #tpu.memory_space<hbm>> -> memref<2000xf32, #tpu.memory_space<hbm>>
        %dma_wait3A_19 = tpu.memref_slice %arg7[%multiple_of3A_14] : memref<320000xf32, #tpu.memory_space<hbm>> -> memref<2000xf32, #tpu.memory_space<hbm>>
        tpu.wait_dma2 semaphore(%run_scoped3A : memref<!tpu.dma_semaphore, #tpu.memory_space<semaphore_mem>>) src(%arg13 : memref<2000xf32, #tpu.memory_space<vmem>>) dst(%dma_wait3A_19 : memref<2000xf32, #tpu.memory_space<hbm>>)
        tpu.yield
      }) : () -> ()
      %scan3A_17 = arith.constant 0 : i32
      scf.yield %scan3A_17 : i32
    }
    %scan3A_8 = arith.constant 5 : i32
    return
  }
}

#map = affine_map<(d0, d1) -> (0)>
#map1 = affine_map<(d0, d1) -> (0, 0)>
module attributes {stable_mosaic.version = 14 : i64} {
  func.func @_main_sc(%arg0: i32, %arg1: i32, %arg2: memref<1280000xf32, #tpu.memory_space<hbm>>, %arg3: memref<320000xi32, #tpu.memory_space<hbm>>, %arg4: memref<320000xf32, #tpu.memory_space<hbm>>, %arg5: memref<32x16xf32, #tpu.memory_space<hbm>>, %arg6: memref<40000xf32, #tpu.memory_space<vmem>>, %arg7: memref<40000xf32, #tpu.memory_space<vmem>>, %arg8: memref<16000xi32, #tpu.memory_space<vmem>>, %arg9: memref<16000xf32, #tpu.memory_space<vmem>>, %arg10: memref<16xf32, #tpu.memory_space<vmem>>, %arg11: memref<!tpu.dma_semaphore, #tpu.memory_space<semaphore_mem>>) attributes {dimension_semantics = [#tpu.dimension_semantics<core_parallel>, #tpu.dimension_semantics<subcore_parallel>], iteration_bounds = array<i64: 2, 16>, scalar_prefetch = 0 : i64, scratch_operands = 6 : i64, tpu.core_type = #tpu.core_type<sc_vector_subcore>, window_params = [{transform_indices = #map}, {transform_indices = #map}, {transform_indices = #map}, {transform_indices = #map1}]} {
    %mul3A = arith.constant 2 : i32
    %mul3A_0 = arith.muli %arg1, %mul3A : i32
    %add3A = arith.addi %mul3A_0, %arg0 : i32
    %mul3A_1 = arith.constant 4 : i32
    %mul3A_2 = arith.muli %add3A, %mul3A_1 : i32
    %add3A_3 = arith.constant 0 : i32
    %add3A_4 = arith.addi %mul3A_2, %add3A_3 : i32
    %mul3A_5 = arith.constant 10000 : i32
    %mul3A_6 = arith.muli %add3A_4, %mul3A_5 : i32
    %multiple_of3A = tpu.assume_multiple %mul3A_6, 8 : i32
    "tpu.region"() ({
      %run_scoped3A = tpu.sem_alloc : memref<!tpu.dma_semaphore, #tpu.memory_space<semaphore_mem>>
      %dma_start3A_179 = arith.constant 0 : i32
      %dma_start3A_180 = tpu.memref_slice %arg6[%dma_start3A_179] : memref<40000xf32, #tpu.memory_space<vmem>> -> memref<10000xf32, #tpu.memory_space<vmem>>
      %dma_start3A_181 = tpu.memref_slice %arg2[%multiple_of3A] : memref<1280000xf32, #tpu.memory_space<hbm>> -> memref<10000xf32, #tpu.memory_space<hbm>>
      %dma_start3A_182 = arith.constant 0 : i32
      %dma_start3A_183 = tpu.memref_slice %arg6[%dma_start3A_182] : memref<40000xf32, #tpu.memory_space<vmem>> -> memref<10000xf32, #tpu.memory_space<vmem>>
      %dma_start3A_184 = tpu.memref_slice %arg2[%multiple_of3A] : memref<1280000xf32, #tpu.memory_space<hbm>> -> memref<10000xf32, #tpu.memory_space<hbm>>
      tpu.enqueue_dma source(%dma_start3A_184 : memref<10000xf32, #tpu.memory_space<hbm>>) target(%dma_start3A_183 : memref<10000xf32, #tpu.memory_space<vmem>>) target_semaphore(%run_scoped3A : memref<!tpu.dma_semaphore, #tpu.memory_space<semaphore_mem>>)
      %dma_wait3A = arith.constant 0 : i32
      %dma_wait3A_185 = tpu.memref_slice %arg6[%dma_wait3A] : memref<40000xf32, #tpu.memory_space<vmem>> -> memref<10000xf32, #tpu.memory_space<vmem>>
      %dma_wait3A_186 = tpu.memref_slice %arg2[%multiple_of3A] : memref<1280000xf32, #tpu.memory_space<hbm>> -> memref<10000xf32, #tpu.memory_space<hbm>>
      %dma_wait3A_187 = arith.constant 0 : i32
      %dma_wait3A_188 = tpu.memref_slice %arg6[%dma_wait3A_187] : memref<40000xf32, #tpu.memory_space<vmem>> -> memref<10000xf32, #tpu.memory_space<vmem>>
      %dma_wait3A_189 = tpu.memref_slice %arg2[%multiple_of3A] : memref<1280000xf32, #tpu.memory_space<hbm>> -> memref<10000xf32, #tpu.memory_space<hbm>>
      tpu.wait_dma2 semaphore(%run_scoped3A : memref<!tpu.dma_semaphore, #tpu.memory_space<semaphore_mem>>) src(%dma_wait3A_189 : memref<10000xf32, #tpu.memory_space<hbm>>) dst(%dma_wait3A_188 : memref<10000xf32, #tpu.memory_space<vmem>>)
      tpu.yield
    }) : () -> ()
    %mul3A_7 = arith.constant 4 : i32
    %mul3A_8 = arith.muli %add3A, %mul3A_7 : i32
    %add3A_9 = arith.constant 1 : i32
    %add3A_10 = arith.addi %mul3A_8, %add3A_9 : i32
    %mul3A_11 = arith.constant 10000 : i32
    %mul3A_12 = arith.muli %add3A_10, %mul3A_11 : i32
    %multiple_of3A_13 = tpu.assume_multiple %mul3A_12, 8 : i32
    "tpu.region"() ({
      %run_scoped3A = tpu.sem_alloc : memref<!tpu.dma_semaphore, #tpu.memory_space<semaphore_mem>>
      %dma_start3A_179 = arith.constant 10000 : i32
      %dma_start3A_180 = tpu.memref_slice %arg6[%dma_start3A_179] : memref<40000xf32, #tpu.memory_space<vmem>> -> memref<10000xf32, #tpu.memory_space<vmem>>
      %dma_start3A_181 = tpu.memref_slice %arg2[%multiple_of3A_13] : memref<1280000xf32, #tpu.memory_space<hbm>> -> memref<10000xf32, #tpu.memory_space<hbm>>
      %dma_start3A_182 = arith.constant 10000 : i32
      %dma_start3A_183 = tpu.memref_slice %arg6[%dma_start3A_182] : memref<40000xf32, #tpu.memory_space<vmem>> -> memref<10000xf32, #tpu.memory_space<vmem>>
      %dma_start3A_184 = tpu.memref_slice %arg2[%multiple_of3A_13] : memref<1280000xf32, #tpu.memory_space<hbm>> -> memref<10000xf32, #tpu.memory_space<hbm>>
      tpu.enqueue_dma source(%dma_start3A_184 : memref<10000xf32, #tpu.memory_space<hbm>>) target(%dma_start3A_183 : memref<10000xf32, #tpu.memory_space<vmem>>) target_semaphore(%run_scoped3A : memref<!tpu.dma_semaphore, #tpu.memory_space<semaphore_mem>>)
      %dma_wait3A = arith.constant 10000 : i32
      %dma_wait3A_185 = tpu.memref_slice %arg6[%dma_wait3A] : memref<40000xf32, #tpu.memory_space<vmem>> -> memref<10000xf32, #tpu.memory_space<vmem>>
      %dma_wait3A_186 = tpu.memref_slice %arg2[%multiple_of3A_13] : memref<1280000xf32, #tpu.memory_space<hbm>> -> memref<10000xf32, #tpu.memory_space<hbm>>
      %dma_wait3A_187 = arith.constant 10000 : i32
      %dma_wait3A_188 = tpu.memref_slice %arg6[%dma_wait3A_187] : memref<40000xf32, #tpu.memory_space<vmem>> -> memref<10000xf32, #tpu.memory_space<vmem>>
      %dma_wait3A_189 = tpu.memref_slice %arg2[%multiple_of3A_13] : memref<1280000xf32, #tpu.memory_space<hbm>> -> memref<10000xf32, #tpu.memory_space<hbm>>
      tpu.wait_dma2 semaphore(%run_scoped3A : memref<!tpu.dma_semaphore, #tpu.memory_space<semaphore_mem>>) src(%dma_wait3A_189 : memref<10000xf32, #tpu.memory_space<hbm>>) dst(%dma_wait3A_188 : memref<10000xf32, #tpu.memory_space<vmem>>)
      tpu.yield
    }) : () -> ()
    %mul3A_14 = arith.constant 4 : i32
    %mul3A_15 = arith.muli %add3A, %mul3A_14 : i32
    %add3A_16 = arith.constant 2 : i32
    %add3A_17 = arith.addi %mul3A_15, %add3A_16 : i32
    %mul3A_18 = arith.constant 10000 : i32
    %mul3A_19 = arith.muli %add3A_17, %mul3A_18 : i32
    %multiple_of3A_20 = tpu.assume_multiple %mul3A_19, 8 : i32
    "tpu.region"() ({
      %run_scoped3A = tpu.sem_alloc : memref<!tpu.dma_semaphore, #tpu.memory_space<semaphore_mem>>
      %dma_start3A_179 = arith.constant 20000 : i32
      %dma_start3A_180 = tpu.memref_slice %arg6[%dma_start3A_179] : memref<40000xf32, #tpu.memory_space<vmem>> -> memref<10000xf32, #tpu.memory_space<vmem>>
      %dma_start3A_181 = tpu.memref_slice %arg2[%multiple_of3A_20] : memref<1280000xf32, #tpu.memory_space<hbm>> -> memref<10000xf32, #tpu.memory_space<hbm>>
      %dma_start3A_182 = arith.constant 20000 : i32
      %dma_start3A_183 = tpu.memref_slice %arg6[%dma_start3A_182] : memref<40000xf32, #tpu.memory_space<vmem>> -> memref<10000xf32, #tpu.memory_space<vmem>>
      %dma_start3A_184 = tpu.memref_slice %arg2[%multiple_of3A_20] : memref<1280000xf32, #tpu.memory_space<hbm>> -> memref<10000xf32, #tpu.memory_space<hbm>>
      tpu.enqueue_dma source(%dma_start3A_184 : memref<10000xf32, #tpu.memory_space<hbm>>) target(%dma_start3A_183 : memref<10000xf32, #tpu.memory_space<vmem>>) target_semaphore(%run_scoped3A : memref<!tpu.dma_semaphore, #tpu.memory_space<semaphore_mem>>)
      %dma_wait3A = arith.constant 20000 : i32
      %dma_wait3A_185 = tpu.memref_slice %arg6[%dma_wait3A] : memref<40000xf32, #tpu.memory_space<vmem>> -> memref<10000xf32, #tpu.memory_space<vmem>>
      %dma_wait3A_186 = tpu.memref_slice %arg2[%multiple_of3A_20] : memref<1280000xf32, #tpu.memory_space<hbm>> -> memref<10000xf32, #tpu.memory_space<hbm>>
      %dma_wait3A_187 = arith.constant 20000 : i32
      %dma_wait3A_188 = tpu.memref_slice %arg6[%dma_wait3A_187] : memref<40000xf32, #tpu.memory_space<vmem>> -> memref<10000xf32, #tpu.memory_space<vmem>>
      %dma_wait3A_189 = tpu.memref_slice %arg2[%multiple_of3A_20] : memref<1280000xf32, #tpu.memory_space<hbm>> -> memref<10000xf32, #tpu.memory_space<hbm>>
      tpu.wait_dma2 semaphore(%run_scoped3A : memref<!tpu.dma_semaphore, #tpu.memory_space<semaphore_mem>>) src(%dma_wait3A_189 : memref<10000xf32, #tpu.memory_space<hbm>>) dst(%dma_wait3A_188 : memref<10000xf32, #tpu.memory_space<vmem>>)
      tpu.yield
    }) : () -> ()
    %mul3A_21 = arith.constant 4 : i32
    %mul3A_22 = arith.muli %add3A, %mul3A_21 : i32
    %add3A_23 = arith.constant 3 : i32
    %add3A_24 = arith.addi %mul3A_22, %add3A_23 : i32
    %mul3A_25 = arith.constant 10000 : i32
    %mul3A_26 = arith.muli %add3A_24, %mul3A_25 : i32
    %multiple_of3A_27 = tpu.assume_multiple %mul3A_26, 8 : i32
    "tpu.region"() ({
      %run_scoped3A = tpu.sem_alloc : memref<!tpu.dma_semaphore, #tpu.memory_space<semaphore_mem>>
      %dma_start3A_179 = arith.constant 30000 : i32
      %dma_start3A_180 = tpu.memref_slice %arg6[%dma_start3A_179] : memref<40000xf32, #tpu.memory_space<vmem>> -> memref<10000xf32, #tpu.memory_space<vmem>>
      %dma_start3A_181 = tpu.memref_slice %arg2[%multiple_of3A_27] : memref<1280000xf32, #tpu.memory_space<hbm>> -> memref<10000xf32, #tpu.memory_space<hbm>>
      %dma_start3A_182 = arith.constant 30000 : i32
      %dma_start3A_183 = tpu.memref_slice %arg6[%dma_start3A_182] : memref<40000xf32, #tpu.memory_space<vmem>> -> memref<10000xf32, #tpu.memory_space<vmem>>
      %dma_start3A_184 = tpu.memref_slice %arg2[%multiple_of3A_27] : memref<1280000xf32, #tpu.memory_space<hbm>> -> memref<10000xf32, #tpu.memory_space<hbm>>
      tpu.enqueue_dma source(%dma_start3A_184 : memref<10000xf32, #tpu.memory_space<hbm>>) target(%dma_start3A_183 : memref<10000xf32, #tpu.memory_space<vmem>>) target_semaphore(%run_scoped3A : memref<!tpu.dma_semaphore, #tpu.memory_space<semaphore_mem>>)
      %dma_wait3A = arith.constant 30000 : i32
      %dma_wait3A_185 = tpu.memref_slice %arg6[%dma_wait3A] : memref<40000xf32, #tpu.memory_space<vmem>> -> memref<10000xf32, #tpu.memory_space<vmem>>
      %dma_wait3A_186 = tpu.memref_slice %arg2[%multiple_of3A_27] : memref<1280000xf32, #tpu.memory_space<hbm>> -> memref<10000xf32, #tpu.memory_space<hbm>>
      %dma_wait3A_187 = arith.constant 30000 : i32
      %dma_wait3A_188 = tpu.memref_slice %arg6[%dma_wait3A_187] : memref<40000xf32, #tpu.memory_space<vmem>> -> memref<10000xf32, #tpu.memory_space<vmem>>
      %dma_wait3A_189 = tpu.memref_slice %arg2[%multiple_of3A_27] : memref<1280000xf32, #tpu.memory_space<hbm>> -> memref<10000xf32, #tpu.memory_space<hbm>>
      tpu.wait_dma2 semaphore(%run_scoped3A : memref<!tpu.dma_semaphore, #tpu.memory_space<semaphore_mem>>) src(%dma_wait3A_189 : memref<10000xf32, #tpu.memory_space<hbm>>) dst(%dma_wait3A_188 : memref<10000xf32, #tpu.memory_space<vmem>>)
      tpu.yield
    }) : () -> ()
    %broadcast_in_dim3A = arith.constant 0.000000e+00 : f32
    %broadcast_in_dim3A_28 = vector.broadcast %broadcast_in_dim3A : f32 to vector<16xf32>
    %scan3A = arith.constant 0 : i32
    %scan3A_29 = arith.constant 0 : i32
    %scan3A_30 = arith.constant 2500 : i32
    %scan3A_31 = arith.addi %scan3A_29, %scan3A_30 : i32
    %scan3A_32 = arith.constant 1 : i32
    %scan3A_33 = scf.for %scan3A_179 = %scan3A_29 to %scan3A_31 step %scan3A_32 iter_args(%scan3A_180 = %scan3A) -> (i32)  : i32 {
      %mul3A_181 = arith.constant 16 : i32
      %mul3A_182 = arith.muli %scan3A_179, %mul3A_181 : i32
      %multiple_of3A_183 = tpu.assume_multiple %mul3A_182, 16 : i32
      %swap3A_184 = arith.index_cast %multiple_of3A_183 : i32 to index
      %swap3A_185 = tpu.vector_load %arg7[%swap3A_184] {strides = array<i32>} : memref<40000xf32, #tpu.memory_space<vmem>>, vector<16xf32>,
      tpu.vector_store %arg7[%swap3A_184], %broadcast_in_dim3A_28 {strides = array<i32>} : memref<40000xf32, #tpu.memory_space<vmem>>, vector<16xf32>,
      %scan3A_186 = arith.constant 0 : i32
      scf.yield %scan3A_186 : i32
    }
    %scan3A_34 = arith.constant 2500 : i32
    %dma_start3A = arith.constant 0 : i32
    %dma_start3A_35 = tpu.memref_slice %arg8[%dma_start3A] : memref<16000xi32, #tpu.memory_space<vmem>> -> memref<8000xi32, #tpu.memory_space<vmem>>
    %dma_start3A_36 = arith.constant 0 : i32
    %dma_start3A_37 = tpu.memref_slice %arg3[%dma_start3A_36] : memref<320000xi32, #tpu.memory_space<hbm>> -> memref<8000xi32, #tpu.memory_space<hbm>>
    %dma_start3A_38 = arith.constant 0 : i32
    %dma_start3A_39 = tpu.memref_slice %arg8[%dma_start3A_38] : memref<16000xi32, #tpu.memory_space<vmem>> -> memref<8000xi32, #tpu.memory_space<vmem>>
    %dma_start3A_40 = arith.constant 0 : i32
    %dma_start3A_41 = tpu.memref_slice %arg3[%dma_start3A_40] : memref<320000xi32, #tpu.memory_space<hbm>> -> memref<8000xi32, #tpu.memory_space<hbm>>
    tpu.enqueue_dma source(%dma_start3A_41 : memref<8000xi32, #tpu.memory_space<hbm>>) target(%dma_start3A_39 : memref<8000xi32, #tpu.memory_space<vmem>>) target_semaphore(%arg11 : memref<!tpu.dma_semaphore, #tpu.memory_space<semaphore_mem>>)
    %dma_start3A_42 = arith.constant 0 : i32
    %dma_start3A_43 = tpu.memref_slice %arg9[%dma_start3A_42] : memref<16000xf32, #tpu.memory_space<vmem>> -> memref<8000xf32, #tpu.memory_space<vmem>>
    %dma_start3A_44 = arith.constant 0 : i32
    %dma_start3A_45 = tpu.memref_slice %arg4[%dma_start3A_44] : memref<320000xf32, #tpu.memory_space<hbm>> -> memref<8000xf32, #tpu.memory_space<hbm>>
    %dma_start3A_46 = arith.constant 0 : i32
    %dma_start3A_47 = tpu.memref_slice %arg9[%dma_start3A_46] : memref<16000xf32, #tpu.memory_space<vmem>> -> memref<8000xf32, #tpu.memory_space<vmem>>
    %dma_start3A_48 = arith.constant 0 : i32
    %dma_start3A_49 = tpu.memref_slice %arg4[%dma_start3A_48] : memref<320000xf32, #tpu.memory_space<hbm>> -> memref<8000xf32, #tpu.memory_space<hbm>>
    tpu.enqueue_dma source(%dma_start3A_49 : memref<8000xf32, #tpu.memory_space<hbm>>) target(%dma_start3A_47 : memref<8000xf32, #tpu.memory_space<vmem>>) target_semaphore(%arg11 : memref<!tpu.dma_semaphore, #tpu.memory_space<semaphore_mem>>)
    %scan3A_50 = arith.constant 0 : i32
    %scan3A_51 = arith.constant 0 : i32
    %scan3A_52 = arith.constant 40 : i32
    %scan3A_53 = arith.addi %scan3A_51, %scan3A_52 : i32
    %scan3A_54 = arith.constant 1 : i32
    %scan3A_55 = scf.for %scan3A_179 = %scan3A_51 to %scan3A_53 step %scan3A_54 iter_args(%scan3A_180 = %scan3A_50) -> (i32)  : i32 {
      %rem3A = arith.constant 2 : i32
      %rem3A_181 = arith.remsi %scan3A_179, %rem3A : i32
      %mul3A_182 = arith.constant 8000 : i32
      %mul3A_183 = arith.muli %rem3A_181, %mul3A_182 : i32
      %multiple_of3A_184 = tpu.assume_multiple %mul3A_183, 8 : i32
      %dma_wait3A = tpu.memref_slice %arg8[%multiple_of3A_184] : memref<16000xi32, #tpu.memory_space<vmem>> -> memref<8000xi32, #tpu.memory_space<vmem>>
      %dma_wait3A_185 = arith.constant 0 : i32
      %dma_wait3A_186 = tpu.memref_slice %arg3[%dma_wait3A_185] : memref<320000xi32, #tpu.memory_space<hbm>> -> memref<8000xi32, #tpu.memory_space<hbm>>
      %dma_wait3A_187 = tpu.memref_slice %arg8[%multiple_of3A_184] : memref<16000xi32, #tpu.memory_space<vmem>> -> memref<8000xi32, #tpu.memory_space<vmem>>
      %dma_wait3A_188 = arith.constant 0 : i32
      %dma_wait3A_189 = tpu.memref_slice %arg3[%dma_wait3A_188] : memref<320000xi32, #tpu.memory_space<hbm>> -> memref<8000xi32, #tpu.memory_space<hbm>>
      tpu.wait_dma2 semaphore(%arg11 : memref<!tpu.dma_semaphore, #tpu.memory_space<semaphore_mem>>) src(%dma_wait3A_189 : memref<8000xi32, #tpu.memory_space<hbm>>) dst(%dma_wait3A_187 : memref<8000xi32, #tpu.memory_space<vmem>>)
      %dma_wait3A_190 = tpu.memref_slice %arg9[%multiple_of3A_184] : memref<16000xf32, #tpu.memory_space<vmem>> -> memref<8000xf32, #tpu.memory_space<vmem>>
      %dma_wait3A_191 = arith.constant 0 : i32
      %dma_wait3A_192 = tpu.memref_slice %arg4[%dma_wait3A_191] : memref<320000xf32, #tpu.memory_space<hbm>> -> memref<8000xf32, #tpu.memory_space<hbm>>
      %dma_wait3A_193 = tpu.memref_slice %arg9[%multiple_of3A_184] : memref<16000xf32, #tpu.memory_space<vmem>> -> memref<8000xf32, #tpu.memory_space<vmem>>
      %dma_wait3A_194 = arith.constant 0 : i32
      %dma_wait3A_195 = tpu.memref_slice %arg4[%dma_wait3A_194] : memref<320000xf32, #tpu.memory_space<hbm>> -> memref<8000xf32, #tpu.memory_space<hbm>>
      tpu.wait_dma2 semaphore(%arg11 : memref<!tpu.dma_semaphore, #tpu.memory_space<semaphore_mem>>) src(%dma_wait3A_195 : memref<8000xf32, #tpu.memory_space<hbm>>) dst(%dma_wait3A_193 : memref<8000xf32, #tpu.memory_space<vmem>>)
      %add3A_196 = arith.constant 1 : i32
      %add3A_197 = arith.addi %scan3A_179, %add3A_196 : i32
      %lt3A = arith.constant 40 : i32
      %lt3A_198 = arith.cmpi slt, %add3A_197, %lt3A : i32
      %convert_element_type3A = arith.extui %lt3A_198 : i1 to i32
      %cond3A = arith.constant 0 : i32
      %cond3A_199 = arith.cmpi ne, %convert_element_type3A, %cond3A : i32
      scf.if %cond3A_199 {
        %add3A_203 = arith.constant 1 : i32
        %add3A_204 = arith.addi %scan3A_179, %add3A_203 : i32
        %rem3A_205 = arith.constant 2 : i32
        %rem3A_206 = arith.remsi %add3A_204, %rem3A_205 : i32
        %mul3A_207 = arith.constant 8000 : i32
        %mul3A_208 = arith.muli %rem3A_206, %mul3A_207 : i32
        %multiple_of3A_209 = tpu.assume_multiple %mul3A_208, 8 : i32
        %add3A_210 = arith.constant 1 : i32
        %add3A_211 = arith.addi %scan3A_179, %add3A_210 : i32
        %mul3A_212 = arith.constant 8000 : i32
        %mul3A_213 = arith.muli %add3A_211, %mul3A_212 : i32
        %multiple_of3A_214 = tpu.assume_multiple %mul3A_213, 8 : i32
        %dma_start3A_215 = tpu.memref_slice %arg8[%multiple_of3A_209] : memref<16000xi32, #tpu.memory_space<vmem>> -> memref<8000xi32, #tpu.memory_space<vmem>>
        %dma_start3A_216 = tpu.memref_slice %arg3[%multiple_of3A_214] : memref<320000xi32, #tpu.memory_space<hbm>> -> memref<8000xi32, #tpu.memory_space<hbm>>
        %dma_start3A_217 = tpu.memref_slice %arg8[%multiple_of3A_209] : memref<16000xi32, #tpu.memory_space<vmem>> -> memref<8000xi32, #tpu.memory_space<vmem>>
        %dma_start3A_218 = tpu.memref_slice %arg3[%multiple_of3A_214] : memref<320000xi32, #tpu.memory_space<hbm>> -> memref<8000xi32, #tpu.memory_space<hbm>>
        tpu.enqueue_dma source(%dma_start3A_218 : memref<8000xi32, #tpu.memory_space<hbm>>) target(%dma_start3A_217 : memref<8000xi32, #tpu.memory_space<vmem>>) target_semaphore(%arg11 : memref<!tpu.dma_semaphore, #tpu.memory_space<semaphore_mem>>)
        %dma_start3A_219 = tpu.memref_slice %arg9[%multiple_of3A_209] : memref<16000xf32, #tpu.memory_space<vmem>> -> memref<8000xf32, #tpu.memory_space<vmem>>
        %dma_start3A_220 = tpu.memref_slice %arg4[%multiple_of3A_214] : memref<320000xf32, #tpu.memory_space<hbm>> -> memref<8000xf32, #tpu.memory_space<hbm>>
        %dma_start3A_221 = tpu.memref_slice %arg9[%multiple_of3A_209] : memref<16000xf32, #tpu.memory_space<vmem>> -> memref<8000xf32, #tpu.memory_space<vmem>>
        %dma_start3A_222 = tpu.memref_slice %arg4[%multiple_of3A_214] : memref<320000xf32, #tpu.memory_space<hbm>> -> memref<8000xf32, #tpu.memory_space<hbm>>
        tpu.enqueue_dma source(%dma_start3A_222 : memref<8000xf32, #tpu.memory_space<hbm>>) target(%dma_start3A_221 : memref<8000xf32, #tpu.memory_space<vmem>>) target_semaphore(%arg11 : memref<!tpu.dma_semaphore, #tpu.memory_space<semaphore_mem>>)
      } else {
      }
      %parallel_loop3A = arith.constant 0 : i32
      %parallel_loop3A_200 = arith.constant 500 : i32
      %parallel_loop3A_201 = arith.constant 1 : i32
      scf.for %parallel_loop3A_203 = %parallel_loop3A to %parallel_loop3A_200 step %parallel_loop3A_201  : i32 {
        %parallel_loop3A_204 = arith.constant 16 : i32
        %parallel_loop3A_205 = arith.muli %parallel_loop3A_203, %parallel_loop3A_204 : i32
        %parallel_loop3A_206 = arith.addi %multiple_of3A_184, %parallel_loop3A_205 : i32
        %parallel_loop3A_207 = tpu.assume_multiple %parallel_loop3A_206, 16 : i32
        %parallel_loop3A_208 = arith.index_cast %parallel_loop3A_207 : i32 to index
        %parallel_loop3A_209 = tpu.vector_load %arg8[%parallel_loop3A_208] {strides = array<i32>} : memref<16000xi32, #tpu.memory_space<vmem>>, vector<16xi32>,
        %parallel_loop3A_210 = arith.index_cast %parallel_loop3A_207 : i32 to index
        %parallel_loop3A_211 = tpu.vector_load %arg9[%parallel_loop3A_210] {strides = array<i32>} : memref<16000xf32, #tpu.memory_space<vmem>>, vector<16xf32>,
        %parallel_loop3A_212 = arith.constant 65535 : i32
        %parallel_loop3A_213 = vector.broadcast %parallel_loop3A_212 : i32 to vector<16xi32>
        %parallel_loop3A_214 = arith.andi %parallel_loop3A_209, %parallel_loop3A_213 : vector<16xi32>
        %parallel_loop3A_215 = arith.constant 16 : i32
        %parallel_loop3A_216 = vector.broadcast %parallel_loop3A_215 : i32 to vector<16xi32>
        %parallel_loop3A_217 = arith.shrui %parallel_loop3A_209, %parallel_loop3A_216 : vector<16xi32>
        %parallel_loop3A_218 = tpu.vector_load_idx %arg6[%parallel_loop3A_214] : memref<40000xf32, #tpu.memory_space<vmem>>[vector<16xi32>], vector<16xf32>,
        %parallel_loop3A_219 = arith.mulf %parallel_loop3A_218, %parallel_loop3A_211 : vector<16xf32>
        %parallel_loop3A_220 = arith.constant 0.00999999977 : f32
        %parallel_loop3A_221 = vector.broadcast %parallel_loop3A_220 : f32 to vector<16xf32>
        %parallel_loop3A_222 = arith.mulf %parallel_loop3A_221, %parallel_loop3A_219 : vector<16xf32>
        %parallel_loop3A_223 = arith.maximumf %parallel_loop3A_219, %parallel_loop3A_222 : vector<16xf32>
        tpu.vector_store_idx %arg7[%parallel_loop3A_217], %parallel_loop3A_223 {add = true} : memref<40000xf32, #tpu.memory_space<vmem>>[vector<16xi32>], vector<16xf32>,
        %parallel_loop3A_224 = arith.constant 10000 : i32
        %parallel_loop3A_225 = vector.broadcast %parallel_loop3A_224 : i32 to vector<16xi32>
        %parallel_loop3A_226 = arith.addi %parallel_loop3A_214, %parallel_loop3A_225 : vector<16xi32>
        %parallel_loop3A_227 = arith.constant 10000 : i32
        %parallel_loop3A_228 = vector.broadcast %parallel_loop3A_227 : i32 to vector<16xi32>
        %parallel_loop3A_229 = arith.addi %parallel_loop3A_217, %parallel_loop3A_228 : vector<16xi32>
        %parallel_loop3A_230 = tpu.vector_load_idx %arg6[%parallel_loop3A_226] : memref<40000xf32, #tpu.memory_space<vmem>>[vector<16xi32>], vector<16xf32>,
        %parallel_loop3A_231 = arith.mulf %parallel_loop3A_230, %parallel_loop3A_211 : vector<16xf32>
        %parallel_loop3A_232 = arith.constant 0.00999999977 : f32
        %parallel_loop3A_233 = vector.broadcast %parallel_loop3A_232 : f32 to vector<16xf32>
        %parallel_loop3A_234 = arith.mulf %parallel_loop3A_233, %parallel_loop3A_231 : vector<16xf32>
        %parallel_loop3A_235 = arith.maximumf %parallel_loop3A_231, %parallel_loop3A_234 : vector<16xf32>
        tpu.vector_store_idx %arg7[%parallel_loop3A_229], %parallel_loop3A_235 {add = true} : memref<40000xf32, #tpu.memory_space<vmem>>[vector<16xi32>], vector<16xf32>,
        %parallel_loop3A_236 = arith.constant 20000 : i32
        %parallel_loop3A_237 = vector.broadcast %parallel_loop3A_236 : i32 to vector<16xi32>
        %parallel_loop3A_238 = arith.addi %parallel_loop3A_214, %parallel_loop3A_237 : vector<16xi32>
        %parallel_loop3A_239 = arith.constant 20000 : i32
        %parallel_loop3A_240 = vector.broadcast %parallel_loop3A_239 : i32 to vector<16xi32>
        %parallel_loop3A_241 = arith.addi %parallel_loop3A_217, %parallel_loop3A_240 : vector<16xi32>
        %parallel_loop3A_242 = tpu.vector_load_idx %arg6[%parallel_loop3A_238] : memref<40000xf32, #tpu.memory_space<vmem>>[vector<16xi32>], vector<16xf32>,
        %parallel_loop3A_243 = arith.mulf %parallel_loop3A_242, %parallel_loop3A_211 : vector<16xf32>
        %parallel_loop3A_244 = arith.constant 0.00999999977 : f32
        %parallel_loop3A_245 = vector.broadcast %parallel_loop3A_244 : f32 to vector<16xf32>
        %parallel_loop3A_246 = arith.mulf %parallel_loop3A_245, %parallel_loop3A_243 : vector<16xf32>
        %parallel_loop3A_247 = arith.maximumf %parallel_loop3A_243, %parallel_loop3A_246 : vector<16xf32>
        tpu.vector_store_idx %arg7[%parallel_loop3A_241], %parallel_loop3A_247 {add = true} : memref<40000xf32, #tpu.memory_space<vmem>>[vector<16xi32>], vector<16xf32>,
        %parallel_loop3A_248 = arith.constant 30000 : i32
        %parallel_loop3A_249 = vector.broadcast %parallel_loop3A_248 : i32 to vector<16xi32>
        %parallel_loop3A_250 = arith.addi %parallel_loop3A_214, %parallel_loop3A_249 : vector<16xi32>
        %parallel_loop3A_251 = arith.constant 30000 : i32
        %parallel_loop3A_252 = vector.broadcast %parallel_loop3A_251 : i32 to vector<16xi32>
        %parallel_loop3A_253 = arith.addi %parallel_loop3A_217, %parallel_loop3A_252 : vector<16xi32>
        %parallel_loop3A_254 = tpu.vector_load_idx %arg6[%parallel_loop3A_250] : memref<40000xf32, #tpu.memory_space<vmem>>[vector<16xi32>], vector<16xf32>,
        %parallel_loop3A_255 = arith.mulf %parallel_loop3A_254, %parallel_loop3A_211 : vector<16xf32>
        %parallel_loop3A_256 = arith.constant 0.00999999977 : f32
        %parallel_loop3A_257 = vector.broadcast %parallel_loop3A_256 : f32 to vector<16xf32>
        %parallel_loop3A_258 = arith.mulf %parallel_loop3A_257, %parallel_loop3A_255 : vector<16xf32>
        %parallel_loop3A_259 = arith.maximumf %parallel_loop3A_255, %parallel_loop3A_258 : vector<16xf32>
        tpu.vector_store_idx %arg7[%parallel_loop3A_253], %parallel_loop3A_259 {add = true} : memref<40000xf32, #tpu.memory_space<vmem>>[vector<16xi32>], vector<16xf32>,
      } {sc.loop_unroll_factor = 2 : i64, sc.parallel_access}
      %scan3A_202 = arith.constant 0 : i32
      scf.yield %scan3A_202 : i32
    }
    %scan3A_56 = arith.constant 40 : i32
    %iota3A = tpu.iota {dimensions = array<i32: 0>} : vector<16xi32>
    %broadcast_in_dim3A_57 = arith.constant 0.000000e+00 : f32
    %broadcast_in_dim3A_58 = vector.broadcast %broadcast_in_dim3A_57 : f32 to vector<16xf32>
    %broadcast_in_dim3A_59 = arith.constant 0xFF800000 : f32
    %broadcast_in_dim3A_60 = vector.broadcast %broadcast_in_dim3A_59 : f32 to vector<16xf32>
    %scan3A_61 = arith.constant 0 : i32
    %scan3A_62 = arith.constant 625 : i32
    %scan3A_63 = arith.addi %scan3A_61, %scan3A_62 : i32
    %scan3A_64 = arith.constant 1 : i32
    %scan3A_65 = scf.for %scan3A_179 = %scan3A_61 to %scan3A_63 step %scan3A_64 iter_args(%scan3A_180 = %broadcast_in_dim3A_60) -> (vector<16xf32>)  : i32 {
      %mul3A_181 = arith.constant 16 : i32
      %mul3A_182 = arith.muli %scan3A_179, %mul3A_181 : i32
      %add3A_183 = arith.constant 0 : i32
      %add3A_184 = arith.addi %add3A_183, %mul3A_182 : i32
      %multiple_of3A_185 = tpu.assume_multiple %add3A_184, 16 : i32
      %get3A = arith.index_cast %multiple_of3A_185 : i32 to index
      %get3A_186 = tpu.vector_load %arg7[%get3A] {strides = array<i32>} : memref<40000xf32, #tpu.memory_space<vmem>>, vector<16xf32>,
      %max3A = arith.maximumf %scan3A_180, %get3A_186 : vector<16xf32>
      scf.yield %max3A : vector<16xf32>
    }
    %scan3A_66 = arith.constant 625 : i32
    %reduce_max3A = arith.constant true
    %reduce_max3A_67 = vector.broadcast %reduce_max3A : i1 to vector<16xi1>
    %reduce_max3A_68 = tpu.scan <max>, %scan3A_65 masked %reduce_max3A_67 : vector<16xf32>, vector<16xi1> -> vector<16xf32>
    %reduce_max3A_69 = vector.extract %reduce_max3A_68[15] : f32 from vector<16xf32>
    %scan3A_70 = arith.constant 0 : i32
    %scan3A_71 = arith.constant 625 : i32
    %scan3A_72 = arith.addi %scan3A_70, %scan3A_71 : i32
    %scan3A_73 = arith.constant 1 : i32
    %scan3A_74 = scf.for %scan3A_179 = %scan3A_70 to %scan3A_72 step %scan3A_73 iter_args(%scan3A_180 = %broadcast_in_dim3A_60) -> (vector<16xf32>)  : i32 {
      %mul3A_181 = arith.constant 16 : i32
      %mul3A_182 = arith.muli %scan3A_179, %mul3A_181 : i32
      %add3A_183 = arith.constant 0 : i32
      %add3A_184 = arith.addi %add3A_183, %mul3A_182 : i32
      %multiple_of3A_185 = tpu.assume_multiple %add3A_184, 16 : i32
      %get3A = arith.index_cast %multiple_of3A_185 : i32 to index
      %get3A_186 = tpu.vector_load %arg6[%get3A] {strides = array<i32>} : memref<40000xf32, #tpu.memory_space<vmem>>, vector<16xf32>,
      %max3A = arith.maximumf %scan3A_180, %get3A_186 : vector<16xf32>
      scf.yield %max3A : vector<16xf32>
    }
    %scan3A_75 = arith.constant 625 : i32
    %reduce_max3A_76 = arith.constant true
    %reduce_max3A_77 = vector.broadcast %reduce_max3A_76 : i1 to vector<16xi1>
    %reduce_max3A_78 = tpu.scan <max>, %scan3A_74 masked %reduce_max3A_77 : vector<16xf32>, vector<16xi1> -> vector<16xf32>
    %reduce_max3A_79 = vector.extract %reduce_max3A_78[15] : f32 from vector<16xf32>
    %eq3A = arith.constant 0 : i32
    %eq3A_80 = vector.broadcast %eq3A : i32 to vector<16xi32>
    %eq3A_81 = arith.cmpi eq, %iota3A, %eq3A_80 : vector<16xi32>
    %broadcast_in_dim3A_82 = vector.broadcast %reduce_max3A_69 : f32 to vector<16xf32>
    %select_n3A = arith.select %eq3A_81, %broadcast_in_dim3A_82, %broadcast_in_dim3A_58 : vector<16xi1>, vector<16xf32>
    %eq3A_83 = arith.constant 8 : i32
    %eq3A_84 = vector.broadcast %eq3A_83 : i32 to vector<16xi32>
    %eq3A_85 = arith.cmpi eq, %iota3A, %eq3A_84 : vector<16xi32>
    %broadcast_in_dim3A_86 = vector.broadcast %reduce_max3A_79 : f32 to vector<16xf32>
    %select_n3A_87 = arith.select %eq3A_85, %broadcast_in_dim3A_86, %select_n3A : vector<16xi1>, vector<16xf32>
    %scan3A_88 = arith.constant 0 : i32
    %scan3A_89 = arith.constant 625 : i32
    %scan3A_90 = arith.addi %scan3A_88, %scan3A_89 : i32
    %scan3A_91 = arith.constant 1 : i32
    %scan3A_92 = scf.for %scan3A_179 = %scan3A_88 to %scan3A_90 step %scan3A_91 iter_args(%scan3A_180 = %broadcast_in_dim3A_60) -> (vector<16xf32>)  : i32 {
      %mul3A_181 = arith.constant 16 : i32
      %mul3A_182 = arith.muli %scan3A_179, %mul3A_181 : i32
      %add3A_183 = arith.constant 10000 : i32
      %add3A_184 = arith.addi %add3A_183, %mul3A_182 : i32
      %multiple_of3A_185 = tpu.assume_multiple %add3A_184, 16 : i32
      %get3A = arith.index_cast %multiple_of3A_185 : i32 to index
      %get3A_186 = tpu.vector_load %arg7[%get3A] {strides = array<i32>} : memref<40000xf32, #tpu.memory_space<vmem>>, vector<16xf32>,
      %max3A = arith.maximumf %scan3A_180, %get3A_186 : vector<16xf32>
      scf.yield %max3A : vector<16xf32>
    }
    %scan3A_93 = arith.constant 625 : i32
    %reduce_max3A_94 = arith.constant true
    %reduce_max3A_95 = vector.broadcast %reduce_max3A_94 : i1 to vector<16xi1>
    %reduce_max3A_96 = tpu.scan <max>, %scan3A_92 masked %reduce_max3A_95 : vector<16xf32>, vector<16xi1> -> vector<16xf32>
    %reduce_max3A_97 = vector.extract %reduce_max3A_96[15] : f32 from vector<16xf32>
    %scan3A_98 = arith.constant 0 : i32
    %scan3A_99 = arith.constant 625 : i32
    %scan3A_100 = arith.addi %scan3A_98, %scan3A_99 : i32
    %scan3A_101 = arith.constant 1 : i32
    %scan3A_102 = scf.for %scan3A_179 = %scan3A_98 to %scan3A_100 step %scan3A_101 iter_args(%scan3A_180 = %broadcast_in_dim3A_60) -> (vector<16xf32>)  : i32 {
      %mul3A_181 = arith.constant 16 : i32
      %mul3A_182 = arith.muli %scan3A_179, %mul3A_181 : i32
      %add3A_183 = arith.constant 10000 : i32
      %add3A_184 = arith.addi %add3A_183, %mul3A_182 : i32
      %multiple_of3A_185 = tpu.assume_multiple %add3A_184, 16 : i32
      %get3A = arith.index_cast %multiple_of3A_185 : i32 to index
      %get3A_186 = tpu.vector_load %arg6[%get3A] {strides = array<i32>} : memref<40000xf32, #tpu.memory_space<vmem>>, vector<16xf32>,
      %max3A = arith.maximumf %scan3A_180, %get3A_186 : vector<16xf32>
      scf.yield %max3A : vector<16xf32>
    }
    %scan3A_103 = arith.constant 625 : i32
    %reduce_max3A_104 = arith.constant true
    %reduce_max3A_105 = vector.broadcast %reduce_max3A_104 : i1 to vector<16xi1>
    %reduce_max3A_106 = tpu.scan <max>, %scan3A_102 masked %reduce_max3A_105 : vector<16xf32>, vector<16xi1> -> vector<16xf32>
    %reduce_max3A_107 = vector.extract %reduce_max3A_106[15] : f32 from vector<16xf32>
    %eq3A_108 = arith.constant 1 : i32
    %eq3A_109 = vector.broadcast %eq3A_108 : i32 to vector<16xi32>
    %eq3A_110 = arith.cmpi eq, %iota3A, %eq3A_109 : vector<16xi32>
    %broadcast_in_dim3A_111 = vector.broadcast %reduce_max3A_97 : f32 to vector<16xf32>
    %select_n3A_112 = arith.select %eq3A_110, %broadcast_in_dim3A_111, %select_n3A_87 : vector<16xi1>, vector<16xf32>
    %eq3A_113 = arith.constant 9 : i32
    %eq3A_114 = vector.broadcast %eq3A_113 : i32 to vector<16xi32>
    %eq3A_115 = arith.cmpi eq, %iota3A, %eq3A_114 : vector<16xi32>
    %broadcast_in_dim3A_116 = vector.broadcast %reduce_max3A_107 : f32 to vector<16xf32>
    %select_n3A_117 = arith.select %eq3A_115, %broadcast_in_dim3A_116, %select_n3A_112 : vector<16xi1>, vector<16xf32>
    %scan3A_118 = arith.constant 0 : i32
    %scan3A_119 = arith.constant 625 : i32
    %scan3A_120 = arith.addi %scan3A_118, %scan3A_119 : i32
    %scan3A_121 = arith.constant 1 : i32
    %scan3A_122 = scf.for %scan3A_179 = %scan3A_118 to %scan3A_120 step %scan3A_121 iter_args(%scan3A_180 = %broadcast_in_dim3A_60) -> (vector<16xf32>)  : i32 {
      %mul3A_181 = arith.constant 16 : i32
      %mul3A_182 = arith.muli %scan3A_179, %mul3A_181 : i32
      %add3A_183 = arith.constant 20000 : i32
      %add3A_184 = arith.addi %add3A_183, %mul3A_182 : i32
      %multiple_of3A_185 = tpu.assume_multiple %add3A_184, 16 : i32
      %get3A = arith.index_cast %multiple_of3A_185 : i32 to index
      %get3A_186 = tpu.vector_load %arg7[%get3A] {strides = array<i32>} : memref<40000xf32, #tpu.memory_space<vmem>>, vector<16xf32>,
      %max3A = arith.maximumf %scan3A_180, %get3A_186 : vector<16xf32>
      scf.yield %max3A : vector<16xf32>
    }
    %scan3A_123 = arith.constant 625 : i32
    %reduce_max3A_124 = arith.constant true
    %reduce_max3A_125 = vector.broadcast %reduce_max3A_124 : i1 to vector<16xi1>
    %reduce_max3A_126 = tpu.scan <max>, %scan3A_122 masked %reduce_max3A_125 : vector<16xf32>, vector<16xi1> -> vector<16xf32>
    %reduce_max3A_127 = vector.extract %reduce_max3A_126[15] : f32 from vector<16xf32>
    %scan3A_128 = arith.constant 0 : i32
    %scan3A_129 = arith.constant 625 : i32
    %scan3A_130 = arith.addi %scan3A_128, %scan3A_129 : i32
    %scan3A_131 = arith.constant 1 : i32
    %scan3A_132 = scf.for %scan3A_179 = %scan3A_128 to %scan3A_130 step %scan3A_131 iter_args(%scan3A_180 = %broadcast_in_dim3A_60) -> (vector<16xf32>)  : i32 {
      %mul3A_181 = arith.constant 16 : i32
      %mul3A_182 = arith.muli %scan3A_179, %mul3A_181 : i32
      %add3A_183 = arith.constant 20000 : i32
      %add3A_184 = arith.addi %add3A_183, %mul3A_182 : i32
      %multiple_of3A_185 = tpu.assume_multiple %add3A_184, 16 : i32
      %get3A = arith.index_cast %multiple_of3A_185 : i32 to index
      %get3A_186 = tpu.vector_load %arg6[%get3A] {strides = array<i32>} : memref<40000xf32, #tpu.memory_space<vmem>>, vector<16xf32>,
      %max3A = arith.maximumf %scan3A_180, %get3A_186 : vector<16xf32>
      scf.yield %max3A : vector<16xf32>
    }
    %scan3A_133 = arith.constant 625 : i32
    %reduce_max3A_134 = arith.constant true
    %reduce_max3A_135 = vector.broadcast %reduce_max3A_134 : i1 to vector<16xi1>
    %reduce_max3A_136 = tpu.scan <max>, %scan3A_132 masked %reduce_max3A_135 : vector<16xf32>, vector<16xi1> -> vector<16xf32>
    %reduce_max3A_137 = vector.extract %reduce_max3A_136[15] : f32 from vector<16xf32>
    %eq3A_138 = arith.constant 2 : i32
    %eq3A_139 = vector.broadcast %eq3A_138 : i32 to vector<16xi32>
    %eq3A_140 = arith.cmpi eq, %iota3A, %eq3A_139 : vector<16xi32>
    %broadcast_in_dim3A_141 = vector.broadcast %reduce_max3A_127 : f32 to vector<16xf32>
    %select_n3A_142 = arith.select %eq3A_140, %broadcast_in_dim3A_141, %select_n3A_117 : vector<16xi1>, vector<16xf32>
    %eq3A_143 = arith.constant 10 : i32
    %eq3A_144 = vector.broadcast %eq3A_143 : i32 to vector<16xi32>
    %eq3A_145 = arith.cmpi eq, %iota3A, %eq3A_144 : vector<16xi32>
    %broadcast_in_dim3A_146 = vector.broadcast %reduce_max3A_137 : f32 to vector<16xf32>
    %select_n3A_147 = arith.select %eq3A_145, %broadcast_in_dim3A_146, %select_n3A_142 : vector<16xi1>, vector<16xf32>
    %scan3A_148 = arith.constant 0 : i32
    %scan3A_149 = arith.constant 625 : i32
    %scan3A_150 = arith.addi %scan3A_148, %scan3A_149 : i32
    %scan3A_151 = arith.constant 1 : i32
    %scan3A_152 = scf.for %scan3A_179 = %scan3A_148 to %scan3A_150 step %scan3A_151 iter_args(%scan3A_180 = %broadcast_in_dim3A_60) -> (vector<16xf32>)  : i32 {
      %mul3A_181 = arith.constant 16 : i32
      %mul3A_182 = arith.muli %scan3A_179, %mul3A_181 : i32
      %add3A_183 = arith.constant 30000 : i32
      %add3A_184 = arith.addi %add3A_183, %mul3A_182 : i32
      %multiple_of3A_185 = tpu.assume_multiple %add3A_184, 16 : i32
      %get3A = arith.index_cast %multiple_of3A_185 : i32 to index
      %get3A_186 = tpu.vector_load %arg7[%get3A] {strides = array<i32>} : memref<40000xf32, #tpu.memory_space<vmem>>, vector<16xf32>,
      %max3A = arith.maximumf %scan3A_180, %get3A_186 : vector<16xf32>
      scf.yield %max3A : vector<16xf32>
    }
    %scan3A_153 = arith.constant 625 : i32
    %reduce_max3A_154 = arith.constant true
    %reduce_max3A_155 = vector.broadcast %reduce_max3A_154 : i1 to vector<16xi1>
    %reduce_max3A_156 = tpu.scan <max>, %scan3A_152 masked %reduce_max3A_155 : vector<16xf32>, vector<16xi1> -> vector<16xf32>
    %reduce_max3A_157 = vector.extract %reduce_max3A_156[15] : f32 from vector<16xf32>
    %scan3A_158 = arith.constant 0 : i32
    %scan3A_159 = arith.constant 625 : i32
    %scan3A_160 = arith.addi %scan3A_158, %scan3A_159 : i32
    %scan3A_161 = arith.constant 1 : i32
    %scan3A_162 = scf.for %scan3A_179 = %scan3A_158 to %scan3A_160 step %scan3A_161 iter_args(%scan3A_180 = %broadcast_in_dim3A_60) -> (vector<16xf32>)  : i32 {
      %mul3A_181 = arith.constant 16 : i32
      %mul3A_182 = arith.muli %scan3A_179, %mul3A_181 : i32
      %add3A_183 = arith.constant 30000 : i32
      %add3A_184 = arith.addi %add3A_183, %mul3A_182 : i32
      %multiple_of3A_185 = tpu.assume_multiple %add3A_184, 16 : i32
      %get3A = arith.index_cast %multiple_of3A_185 : i32 to index
      %get3A_186 = tpu.vector_load %arg6[%get3A] {strides = array<i32>} : memref<40000xf32, #tpu.memory_space<vmem>>, vector<16xf32>,
      %max3A = arith.maximumf %scan3A_180, %get3A_186 : vector<16xf32>
      scf.yield %max3A : vector<16xf32>
    }
    %scan3A_163 = arith.constant 625 : i32
    %reduce_max3A_164 = arith.constant true
    %reduce_max3A_165 = vector.broadcast %reduce_max3A_164 : i1 to vector<16xi1>
    %reduce_max3A_166 = tpu.scan <max>, %scan3A_162 masked %reduce_max3A_165 : vector<16xf32>, vector<16xi1> -> vector<16xf32>
    %reduce_max3A_167 = vector.extract %reduce_max3A_166[15] : f32 from vector<16xf32>
    %eq3A_168 = arith.constant 3 : i32
    %eq3A_169 = vector.broadcast %eq3A_168 : i32 to vector<16xi32>
    %eq3A_170 = arith.cmpi eq, %iota3A, %eq3A_169 : vector<16xi32>
    %broadcast_in_dim3A_171 = vector.broadcast %reduce_max3A_157 : f32 to vector<16xf32>
    %select_n3A_172 = arith.select %eq3A_170, %broadcast_in_dim3A_171, %select_n3A_147 : vector<16xi1>, vector<16xf32>
    %eq3A_173 = arith.constant 11 : i32
    %eq3A_174 = vector.broadcast %eq3A_173 : i32 to vector<16xi32>
    %eq3A_175 = arith.cmpi eq, %iota3A, %eq3A_174 : vector<16xi32>
    %broadcast_in_dim3A_176 = vector.broadcast %reduce_max3A_167 : f32 to vector<16xf32>
    %select_n3A_177 = arith.select %eq3A_175, %broadcast_in_dim3A_176, %select_n3A_172 : vector<16xi1>, vector<16xf32>
    %swap3A = arith.constant 0 : index
    %swap3A_178 = tpu.vector_load %arg10[%swap3A] {strides = array<i32>} : memref<16xf32, #tpu.memory_space<vmem>>, vector<16xf32>,
    tpu.vector_store %arg10[%swap3A], %select_n3A_177 {strides = array<i32>} : memref<16xf32, #tpu.memory_space<vmem>>, vector<16xf32>,
    "tpu.region"() ({
      %run_scoped3A = tpu.sem_alloc : memref<!tpu.dma_semaphore, #tpu.memory_space<semaphore_mem>>
      %dma_start3A_179 = arith.constant 0 : i32
      %dma_start3A_180 = tpu.memref_slice %arg5[%add3A, %dma_start3A_179] : memref<32x16xf32, #tpu.memory_space<hbm>> -> memref<1x16xf32, #tpu.memory_space<hbm>>
      %dma_start3A_181 = tpu.memref_squeeze %dma_start3A_180 : memref<1x16xf32, #tpu.memory_space<hbm>> -> memref<16xf32, #tpu.memory_space<hbm>>
      %dma_start3A_182 = arith.constant 0 : i32
      %dma_start3A_183 = tpu.memref_slice %arg5[%add3A, %dma_start3A_182] : memref<32x16xf32, #tpu.memory_space<hbm>> -> memref<1x16xf32, #tpu.memory_space<hbm>>
      %dma_start3A_184 = tpu.memref_squeeze %dma_start3A_183 : memref<1x16xf32, #tpu.memory_space<hbm>> -> memref<16xf32, #tpu.memory_space<hbm>>
      tpu.enqueue_dma source(%arg10 : memref<16xf32, #tpu.memory_space<vmem>>) target(%dma_start3A_184 : memref<16xf32, #tpu.memory_space<hbm>>) target_semaphore(%run_scoped3A : memref<!tpu.dma_semaphore, #tpu.memory_space<semaphore_mem>>)
      %dma_wait3A = arith.constant 0 : i32
      %dma_wait3A_185 = tpu.memref_slice %arg5[%add3A, %dma_wait3A] : memref<32x16xf32, #tpu.memory_space<hbm>> -> memref<1x16xf32, #tpu.memory_space<hbm>>
      %dma_wait3A_186 = tpu.memref_squeeze %dma_wait3A_185 : memref<1x16xf32, #tpu.memory_space<hbm>> -> memref<16xf32, #tpu.memory_space<hbm>>
      %dma_wait3A_187 = arith.constant 0 : i32
      %dma_wait3A_188 = tpu.memref_slice %arg5[%add3A, %dma_wait3A_187] : memref<32x16xf32, #tpu.memory_space<hbm>> -> memref<1x16xf32, #tpu.memory_space<hbm>>
      %dma_wait3A_189 = tpu.memref_squeeze %dma_wait3A_188 : memref<1x16xf32, #tpu.memory_space<hbm>> -> memref<16xf32, #tpu.memory_space<hbm>>
      tpu.wait_dma2 semaphore(%run_scoped3A : memref<!tpu.dma_semaphore, #tpu.memory_space<semaphore_mem>>) src(%arg10 : memref<16xf32, #tpu.memory_space<vmem>>) dst(%dma_wait3A_189 : memref<16xf32, #tpu.memory_space<hbm>>)
      tpu.yield
    }) : () -> ()
    return
  }
}

</mosaic_0001>

<sc_bundles>
// kernel: kernel.4.cloned.1.call-start
scs
__scs_entry_jumppad:
0x0: {  	(pc) =	sbr.rel $0x88, $3  }
0x1: {  	(tag) =	ssettag $0x0;
	lr =	simm.s32 $0x1  }
0x2: {  	[smem:$0x3F9D] =	sst lr;
	_ =	strace $0xD0000000  }
0x3: {  	_ = 	snop  }
0x4: {  	_ = 	snop  }
0x5: {  	_ = 	snop  }
0x6: {  	_ = 	snop  }
0x7: {  	_ = 	snop  }
__scs_overlays_trampoline_lowered:
0x8: {  	[smem:$0x3FAC] =	sst s0  }
0x9: {  	[smem:$0x3FAD] =	sst s1  }
0xa: {  	[smem:$0x3FAE] =	sst s2  }
0xb: {  	[smem:$0x3FAF] =	sst s3  }
0xc: {  	[smem:$0x3FB0] =	sst s4  }
0xd: {  	[smem:$0x3FB1] =	sst s5  }
0xe: {  	[smem:$0x3FB2] =	sst s6  }
0xf: {  	[smem:$0x3FB3] =	sst s7  }
0x10: {  	[smem:$0x3FB4] =	sst s8  }
0x11: {  	[smem:$0x3FB5] =	sst s9;
	s0 =	simm.s32 @!p0 $0x0  }
0x12: {  	s1 =	sld [smem:$0x3F9B];
	s0 =	simm.s32 @p0 $0x1  }
0x13: {  	[smem:$0x3FB6] =	sst s0;
	s0 =	simm.s32 @!p1 $0x0  }
0x14: {  	s2 =	sld [smem:$0x3F9A];
	s0 =	simm.s32 @p1 $0x1  }
0x15: {  	[smem:$0x3FB7] =	sst s0;
	s0 =	simm.s32 @!p2 $0x0  }
0x16: {  	s3 =	sld [smem:$0x3FDB];
	s0 =	simm.s32 @p2 $0x1  }
0x17: {  	s4 =	simm.s32 $0x1BF5;
	[smem:$0x3FB9] =	sst s0  }
0x18: {  	s0 =	sld [smem:$0x3F9C];
	_ =	swait.ge [sflag:s4], $0x0  }
0x19: {  	s7 =	sld [smem:$0x3F9D]  }
0x1a: {  	s8 =	sadd.s32 $0xFFFFE003, lr  }
0x1b: {  	s9 =	sadd.s32 $0xFFFFFEF7, lr;
	s5 =	simm.s32 $0xFFFFFFFF;
	p2 =	slt.u32 s8, $0xFFFFF086  }
0x1c: {  	p1 =	slt.u32 s9, $0xF7A;
	s5 =	simm.s32 @!p2 $0x0  }
0x1d: {  	s5 =	simm.s32 @p1 $0x1;
	p0 =	seq.s32 s7, s2  }
0x1e: {  	s7 =	smul.u32 @!p0 $0xF7A, s2;
	p2 =	seq.s32 @!p0 s5, $0x0  }
0x1f: {  	s9 =	smul.u32 $0xF7A, s1;
	s8 =	simm.s32 @!p0 $0x1BF5;
	p2 =	por !p2, p0  }
0x20: {  	[sflag:s8] =	ssyncset.s32 @!p0 $0xFFFFF086;
	s6 =	sadd.s32 @!p0 s3, s7;
	s7 =	simm.s32 @!p0 $0x108  }
0x21: {  	s3 =	sadd.s32 s3, s9;
	s6 =	sadd.s32 @!p0 $0x88, s6;
	s7 =	simm.s32 @p2 $0x1082  }
0x22: {  	[simem:s7], [sflag:s8] =	dma.local @!p0 [hbm:s6], $0xF7A  }
0x23: {  	s9 =	sor.u32 $0xD0000000, s2;
	s6 =	simm.s32 $0x108;
	_ =	swait.ge @!p0 [sflag:s8], $0x0  }
0x24: {  	s3 =	sadd.s32 $0x88, s3;
	s6 =	simm.s32 @!p1 $0x1082;
	[sflag:s4] =	ssyncset.s32 $0xFFFFF086  }
0x25: {  	[simem:s6], [sflag:s4] =	dma.local [hbm:s3], $0xF7A  }
0x26: {  	[smem:$0x3F9D] =	sst s1;
	(tag) =	ssettag s2;
	_ =	strace s9  }
0x27: {  	s1 =	sld [smem:$0x3FAD]  }
0x28: {  	s2 =	sld [smem:$0x3FAE]  }
0x29: {  	s4 =	sld [smem:$0x3FB0]  }
0x2a: {  	p0 =	seq.s32 s5, $0x0;
	s5 =	sld [smem:$0x3FB1]  }
0x2b: {  	s6 =	sld [smem:$0x3FB2]  }
0x2c: {  	s7 =	sld [smem:$0x3FB3]  }
0x2d: {  	s3 =	simm.s32 $0x108;
	s8 =	sld [smem:$0x3FB4]  }
0x2e: {  	s3 =	simm.s32 @!p0 $0x1082;
	s9 =	sld [smem:$0x3FB5]  }
0x2f: {  	lr =	sadd.s32 s0, s3;
	s0 =	sld [smem:$0x3FAC]  }
0x30: {  	s3 =	sld [smem:$0x3FAF]  }
0x31: {  	[smem:$0x3FB8] =	sst s10  }
0x32: {  	s10 =	sld [smem:$0x3FB6];
	_ =	sdelay $0x3  }
0x33: {  	p0 =	seq.s32 s10, $0x1;
	s10 =	sld [smem:$0x3FB8];
	_ =	sdelay $0x3  }
0x34: {  	[smem:$0x3FB8] =	sst s10  }
0x35: {  	s10 =	sld [smem:$0x3FB7];
	_ =	sdelay $0x3  }
0x36: {  	p1 =	seq.s32 s10, $0x1;
	s10 =	sld [smem:$0x3FB8];
	_ =	sdelay $0x3  }
0x37: {  	[smem:$0x3FB8] =	sst s10  }
0x38: {  	s10 =	sld [smem:$0x3FB9]  }
0x39: {  	_ = 	snop;
	(pc) =	sbr.ind lr, $3  }
0x3a: {  	_ = 	snop  }
0x3b: {  	_ = 	snop  }
0x3c: {  	p2 =	seq.s32 s10, $0x1;
	s10 =	sld [smem:$0x3FB8]  }
0x3d: {  	_ =	shalt  }
0x3e: {  	_ =	shalt  }
0x3f: {  	_ =	shalt  }
0x40: {  	_ =	shalt  }
0x41: {  	_ =	shalt  }
0x42: {  	_ =	shalt  }
0x43: {  	_ =	shalt  }
0x44: {  	_ =	shalt  }
0x45: {  	_ =	shalt  }
0x46: {  	_ =	shalt  }
0x47: {  	_ =	shalt  }
0x48: {  	_ =	shalt  }
0x49: {  	_ =	shalt  }
0x4a: {  	_ =	shalt  }
0x4b: {  	_ =	shalt  }
0x4c: {  	_ =	shalt  }
0x4d: {  	_ =	shalt  }
0x4e: {  	_ =	shalt  }
0x4f: {  	_ =	shalt  }
0x50: {  	_ =	shalt  }
0x51: {  	_ =	shalt  }
0x52: {  	_ =	shalt  }
0x53: {  	_ =	shalt  }
0x54: {  	_ =	shalt  }
0x55: {  	_ =	shalt  }
0x56: {  	_ =	shalt  }
0x57: {  	_ =	shalt  }
0x58: {  	_ =	shalt  }
0x59: {  	_ =	shalt  }
0x5a: {  	_ =	shalt  }
0x5b: {  	_ =	shalt  }
0x5c: {  	_ =	shalt  }
0x5d: {  	_ =	shalt  }
0x5e: {  	_ =	shalt  }
0x5f: {  	_ =	shalt  }
0x60: {  	_ =	shalt  }
0x61: {  	_ =	shalt  }
0x62: {  	_ =	shalt  }
0x63: {  	_ =	shalt  }
0x64: {  	_ =	shalt  }
0x65: {  	_ =	shalt  }
0x66: {  	_ =	shalt  }
0x67: {  	_ =	shalt  }
0x68: {  	_ =	shalt  }
0x69: {  	_ =	shalt  }
0x6a: {  	_ =	shalt  }
0x6b: {  	_ =	shalt  }
0x6c: {  	_ =	shalt  }
0x6d: {  	_ =	shalt  }
0x6e: {  	_ =	shalt  }
0x6f: {  	_ =	shalt  }
0x70: {  	_ =	shalt  }
0x71: {  	_ =	shalt  }
0x72: {  	_ =	shalt  }
0x73: {  	_ =	shalt  }
0x74: {  	_ =	shalt  }
0x75: {  	_ =	shalt  }
0x76: {  	_ =	shalt  }
0x77: {  	_ =	shalt  }
0x78: {  	_ =	shalt  }
0x79: {  	_ =	shalt  }
0x7a: {  	_ =	shalt  }
0x7b: {  	_ =	shalt  }
0x7c: {  	_ =	shalt  }
0x7d: {  	_ =	shalt  }
0x7e: {  	_ =	shalt  }
0x7f: {  	_ =	shalt  }
0x80: {  	_ =	shalt  }
0x81: {  	_ =	shalt  }
0x82: {  	_ =	shalt  }
0x83: {  	_ =	shalt  }
0x84: {  	_ =	shalt  }
0x85: {  	_ =	shalt  }
0x86: {  	_ =	shalt  }
0x87: {  	_ =	shalt  }
.Lfunc_end0:
.L_simem_size_0:
called_computation_lowered:
.L_overlay_start_0:
0x88: {  	s2 =	sld [smem:$0x3FD9]  }
0x89: {  	s3 =	sld [smem:$0x3FFE];
	_ =	sdelay $0x1  }
0x8a: {  	s1 =	srdreg.scid  }
0x8b: {  	s0 =	sand.u32 $0x1, s1  }
0x8c: {  	s17 =	sshll.u32 s0, $0xA;
	s2 =	sadd.s32 s3, s2  }
0x8d: {  	s2 =	sadd.s32 s2, s17  }
0x8e: {  	[smem:$0x3FC4] =	sst s2  }
0x8f: {  	_ = 	snop  }
0x90: {  	s2 =	sld [smem:$0x3FC7]  }
0x91: {  	s18 =	sld [smem:$0x3FC6];
	(tm) =	ssettm $0x1  }
0x92: {  	s4 =	sld [smem:$0x3FFB];
	_ =	sdelay $0x3  }
0x93: {  	_ =	strace s4  }
0x94: {  	s4 =	sld [smem:$0x3FFC];
	_ =	sdelay $0x3  }
0x95: {  	_ =	strace s4  }
0x96: {  	s4 =	sld [smem:$0x3FFD];
	_ =	sdelay $0x3  }
0x97: {  	_ =	strace s4  }
0x98: {  	_ =	strace $0x8FFFFFFF  }
0x99: {  	s19 =	sld [smem:$0x3FDB];
	_ =	sdelay $0x1  }
0x9a: {  	s5 =	simm.s32 $_scs_section_size  }
0x9b: {  	s6 =	simm.s32 $_size__tile_overlayer_lowered;
	s7 =	simm.s32 $_tile_overlayer_lowered  }
0x9c: {  	s22 =	simm.s32 $0x1BFF;
	s21 =	sshll.u32 s7, $0x1;
	s4 =	sadd.s32 s5, s19  }
0x9d: {  	s8 =	simm.s32 $0x0;
	s20 =	sshll.u32 s6, $0x1;
	s6 =	sadd.s32 s21, s4  }
0x9e: {  	[timem:s8], [sflag:s22] =	dma.local [hbm:s6], s20  }
0x9f: {  	_ =	swait.ge [sflag:s22], s20  }
0xa0: {  	s5 =	ssub.s32 $0x0, s20;
	[sflag:s22] =	ssyncset.done $0x0  }
0xa1: {  	[sflag:s22] =	ssyncadd.s32 s5;
	_ =	sdelay $0x1  }
0xa2: {  	s23 =	simm.s32 $0x1B8B  }
0xa3: {  	_ =	swait.ge [sflag:s23], $0x1  }
0xa4: {  	[sflag:s23] =	ssyncset.done $0x0  }
0xa5: {  	s25 =	simm.s32 $0x1B8E;
	s24 =	sld [smem:$0x3FFE];
	[sflag:s23] =	ssyncadd.s32 $0xFFFFFFFF  }
0xa6: {  	s26 =	simm.s32 $execute0_lowered;
	[smem:$0x3FD2] =	sst s25  }
0xa7: {  	s6 =	sshll.u32 s26, $0x1;
	_ =	strace $0x80000046;
	[dreg:$0x1] =	wrdreg $0xFFFFFFFF  }
0xa8: {  	s28 =	simm.s32 $_size_execute0_lowered;
	s4 =	sadd.s32 s4, s6;
	[dreg:$0x0] =	wrdreg $0x0  }
0xa9: {  	s6 =	sshll.u32 s28, $0x1;
	[dreg:$0x2] =	wrdreg s4  }
0xaa: {  	[dreg:$0x3] =	wrdreg s6  }
0xab: {  	[dreg:$0x4] =	wrdreg $0xC0  }
0xac: {  	_ =	task [dreg:s8], $0x5FFFF  }
0xad: {  	[dreg:$0x1] =	wrdreg $0xFFFFFFFF  }
0xae: {  	[dreg:$0x0] =	wrdreg $0x60  }
0xaf: {  	[dreg:$0x2] =	wrdreg s24  }
0xb0: {  	[dreg:$0x3] =	wrdreg s18  }
0xb1: {  	[dreg:$0x4] =	wrdreg s2  }
0xb2: {  	[dreg:$0x5] =	wrdreg $0x9  }
0xb3: {  	_ =	task.clear_ibuf [dreg:s8], $0x6FFFF;
	_ =	strace $0x90000046  }
0xb4: {  	s29 =	simm.s32 $0x9;
	_ =	strace $0x80000048  }
0xb5: {  	_ =	swait.ge [sflag:s29], $0x1  }
0xb6: {  	[sflag:s29] =	ssyncadd.s32 $0xFFFFFFFF  }
0xb7: {  	_ =	strace $0x90000048  }
0xb8: {  	_ =	sfence  }
0xb9: {  	s30 =	sld [smem:$0x0];
	_ =	sdelay $0x2  }
0xba: {  	s31 =	sshll.u32 s1, $0xD;
	s1 =	sshrl.u32 s1, $0x2  }
0xbb: {  	s3 =	sand.u32 $0x4000, s31;
	s1 =	sadd.s32 s1, s30  }
0xbc: {  	s0 =	sor.u32 s3, s0;
	s1 =	sshll.u32 s1, $0x11  }
0xbd: {  	s0 =	sor.u32 s1, s0  }
0xbe: {  	s0 =	sadd.s32 $0x8F2B, s0  }
0xbf: {  	[sflag:s0] =	ssyncadd.remote.s32 $0x1  }
0xc0: {  	_ =	sfence.sel $0xFFFF  }
0xc1: {  	[dreg:$0x0] =	wrdreg $0xFFFFFFFF;
	(pc) =	sbr.abs _section_cstart, $3  }
0xc2: {  	[dreg:$0x1] =	wrdreg $0xFFFFFFFF  }
0xc3: {  	_ =	task.clear_ibuf [dreg:s8], $0x2FFFF;
	_ =	strace $0x9FFFFFFF  }
0xc4: {  	(tm) =	ssettm $0x7FFFFFFF  }
0xc5: {  	_ =	shalt  }
tec
execute0_lowered:
.L_overlay_start_1:
0x0: {  	(tag) =	ssettag $0x1  }
0x1: {  	s8 =	rddreg [dreg:$0x0]  }
0x2: {  	s1 =	rddreg [dreg:$0x1]  }
0x3: {  	s2 =	rddreg [dreg:$0x2]  }
0x4: {  	s0 =	rddreg [dreg:$0x3]  }
0x5: {  	s3 =	simm.s32 $0x0;
	s4 =	srdreg.scid;
	s13 =	simm.s32 $0x2F80  }
0x6: {  	s14 =	simm.s32 $0x3780;
	s15 =	simm.s32 $0x3F80;
	s16 =	simm.s32 $0x4780  }
0x7: {  	s17 =	simm.s32 $0x0;
	[smem:$0x7FF] =	sst s3;
	s5 =	sadd.s32 $0xAA00, s8  }
0x8: {  	s9 =	sand.u32 $0x1, s4;
	s6 =	sadd.s32 $0xC00, s8;
	s4 =	stileid.u32  }
0x9: {  	s7 =	sadd.s32 $0x14800, s8;
	s8 =	sadd.s32 $0x1E600, s8;
	s10 =	ssub.s32 $0x2, s9  }
0xa: {  	_ =	strace $0x80000047;
	s12 =	sshll.u32 s4, $0x1;
	s11 =	sshrl.u32 s10, $0x1  }
0xb: {  	s9 =	sor.u32 s9, s12;
	s12 =	simm.s32 $0x2780;
	s10 =	ssub.s32 s10, s11  }
0xc: {  	s9 =	smul.u32 $0x2710, s9;
	s11 =	simm.s32 $0x1;
	s10 =	smax.u32 s10, $0x1  }
.LBB2_1:
0xd: {  	[tilespmem:s3], [sflag:$0x1] =	stream.linear.gather [hbm4b:s2+s3], $0x2780, $0x38;
	[tilespmem:$0x4F80] =	vst v63  }
0xe: {  	_ =	swait.ge [sflag:s11], $0x2780  }
0xf: {  	[sflag:s11] =	ssyncset.done $0x0  }
0x10: {  	s18 =	simm.s32 $0x0;
	[sflag:s11] =	ssyncadd.s32 $0xFFFFD880  }
.LBB2_2:
0x11: {  	s19 =	smul.u32 $0x7D0, s18;
	_ =	sdelay $0x1  }
0x12: {  	s19 =	sadd.s32 s9, s19  }
0x13: {  	s19 =	sshrl.u32 s19, $0x3  }
0x14: {  	s20 =	sadd.s32 s5, s19  }
0x15: {  	[tilespmem:s12], [sflag:$0x1] =	stream.linear.gather [hbm4b:s20+s3], $0x7D0, $0x38;
	[tilespmem:$0x4F80] =	vst v63  }
0x16: {  	_ =	swait.ge [sflag:s11], $0x7D0  }
0x17: {  	[sflag:s11] =	ssyncset.done $0x0  }
0x18: {  	s28 =	sadd.s32 s6, s19;
	[sflag:s11] =	ssyncadd.s32 $0xFFFFF830  }
0x19: {  	[tilespmem:s13], [sflag:$0x1] =	stream.linear.gather [hbm4b:s28+s3], $0x7D0, $0x38;
	[tilespmem:$0x4F80] =	vst v63  }
0x1a: {  	_ =	swait.ge [sflag:s11], $0x7D0  }
0x1b: {  	[sflag:s11] =	ssyncset.done $0x0  }
0x1c: {  	s29 =	sadd.s32 s1, s19;
	[sflag:s11] =	ssyncadd.s32 $0xFFFFF830  }
0x1d: {  	[tilespmem:s14], [sflag:$0x1] =	stream.linear.gather [hbm4b:s29+s3], $0x7D0, $0x38;
	[tilespmem:$0x4F80] =	vst v63  }
0x1e: {  	_ =	swait.ge [sflag:s11], $0x7D0  }
0x1f: {  	[sflag:s11] =	ssyncset.done $0x0  }
0x20: {  	s30 =	simm.s32 $0x2790;
	[sflag:s11] =	ssyncadd.s32 $0xFFFFF830  }
0x21: {  	s21 =	simm.s32 $0x2F90;
	v3 =	vld [tilespmem:s30+$0x0]  }
0x22: {  	v6 =	vld [tilespmem:s21+$0x0];
	_ =	sdelay $0x3  }
0x23: {  	v7 =	vld [tilespmem:s21+$0xFFFFFFF0]  }
0x24: {  	s31 =	simm.s32 $0x27B0;
	v9 =	vld [tilespmem:s30+$0xFFFFFFF0]  }
0x25: {  	v0 =	vld [tilespmem:s31+$0x0]  }
0x26: {  	v4 =	vld.idx.msk [tilespmem:v3+s3+$0x0], $0xffff  }
0x27: {  	s23 =	simm.s32 $0x2FB0;
	v10 =	vld.idx.msk [tilespmem:v6+s3+$0x0], $0xffff  }
0x28: {  	s22 =	simm.s32 $0x3790;
	v1 =	vld [tilespmem:s23+$0x0]  }
0x29: {  	v11 =	vld [tilespmem:s22+$0x0]  }
0x2a: {  	v5 =	vld [tilespmem:s23+$0xFFFFFFF0]  }
0x2b: {  	v8 =	vld [tilespmem:s31+$0xFFFFFFF0]  }
0x2c: {  	v2 =	vld.idx.msk [tilespmem:v9+s3+$0x0], $0xffff;
	v10 =	vmul.f32 v10, v4  }
0x2d: {  	v12 =	vshll.u32 v6, $0x10;
	v6 =	vld [tilespmem:s22+$0xFFFFFFF0]  }
0x2e: {  	s20 =	simm.s32 $0x3F90;
	v3 =	vor.u32 v3, v12;
	v4 =	vld.idx.msk [tilespmem:v7+s3+$0x0], $0xffff;
	v11 =	vmul.f32 v10, v11  }
0x2f: {  	s21 =	simm.s32 $0x4790;
	v63 =	vshll.u32 v5, $0x10;
	[tilespmem:s20+$0x0] =	vst v3;
	v10 =	vshll.u32 v7, $0x10;
	v7 =	vld.idx.msk [tilespmem:v0+s3+$0x0], $0xffff  }
0x30: {  	s24 =	simm.s32 $0x2;
	s25 =	simm.s32 $0x27D0;
	v3 =	vor.u32 v9, v10;
	v10 =	vor.u32 v8, v63;
	v9 =	vld.idx.msk [tilespmem:v1+s3+$0x0], $0xffff;
	[tilespmem:s21+$0x0] =	vst v11  }
.LBB2_3:
0x31: {  	v11 =	vld [tilespmem:s25+$0x0];
	s23 =	sadd.s32 $0x20, s23;
	[tilespmem:s20+$0xFFFFFFF0] =	vst v3;
	v3 =	vmov v10  }
0x32: {  	s24 =	sadd.s32 $0x2, s24;
	s22 =	sadd.s32 $0x20, s22;
	v12 =	vld [tilespmem:s23+$0x0]  }
0x33: {  	p0 =	slt.u32 s24, $0x7A;
	v2 =	vmul.f32 v4, v2;
	v10 =	vld [tilespmem:s22+$0x0]  }
0x34: {  	v13 =	vld [tilespmem:s23+$0xFFFFFFF0]  }
0x35: {  	v6 =	vmul.f32 v2, v6;
	v14 =	vld [tilespmem:s25+$0xFFFFFFF0]  }
.Ltmp0:
0x36: {  	v7 =	vmul.f32 v9, v7;
	v2 =	vld.idx.msk [tilespmem:v8+s3+$0x0], $0xffff;
	(pc) =	sbr.rel @p0 .LBB2_3-.Ltmp0, $4  }
0x37: {  	v8 =	vshll.u32 v1, $0x10;
	v4 =	vld.idx.msk [tilespmem:v5+s3+$0x0], $0xffff;
	[tilespmem:s21+$0xFFFFFFF0] =	vst v6;
	v1 =	vmov v12  }
0x38: {  	s20 =	sadd.s32 $0x20, s20;
	v6 =	vld [tilespmem:s22+$0xFFFFFFF0];
	v15 =	vmul.f32 v7, v10;
	v10 =	vor.u32 v0, v8;
	v0 =	vmov v11  }
0x39: {  	s21 =	sadd.s32 $0x20, s21;
	v9 =	vshll.u32 v13, $0x10;
	v7 =	vld.idx.msk [tilespmem:v11+s3+$0x0], $0xffff;
	[tilespmem:s20+$0x0] =	vst v10;
	v5 =	vmov v13  }
0x3a: {  	s25 =	sadd.s32 $0x20, s25;
	v10 =	vor.u32 v14, v9;
	v9 =	vld.idx.msk [tilespmem:v12+s3+$0x0], $0xffff;
	[tilespmem:s21+$0x0] =	vst v15;
	v8 =	vmov v14  }
0x3b: {  	_ =	sdelay $0x3  }
0x3c: {  	v8 =	vld.idx.msk [tilespmem:v8+s3+$0x0], $0xffff  }
0x3d: {  	s22 =	sadd.s32 $0x20, s22;
	v5 =	vld.idx.msk [tilespmem:v5+s3+$0x0], $0xffff  }
0x3e: {  	v11 =	vld [tilespmem:s22+$0x0]  }
0x3f: {  	v57 =	vld [tilespmem:s22+$0xFFFFFFF0]  }
0x40: {  	v2 =	vmul.f32 v4, v2  }
0x41: {  	[tilespmem:s20+$0xFFFFFFF0] =	vst v3;
	v1 =	vshll.u32 v1, $0x10;
	s28 =	sadd.s32 $0x20, s20;
	v58 =	vmul.f32 v9, v7  }
0x42: {  	v0 =	vor.u32 v0, v1;
	[tilespmem:s28+$0xFFFFFFF0] =	vst v10;
	v2 =	vmul.f32 v2, v6;
	v60 =	vmul.f32 v5, v8  }
0x43: {  	[tilespmem:s28+$0x0] =	vst v0;
	v59 =	vmul.f32 v58, v11  }
0x44: {  	s29 =	sadd.s32 $0x20, s21;
	[tilespmem:s21+$0xFFFFFFF0] =	vst v2;
	v61 =	vmul.f32 v60, v57  }
0x45: {  	[tilespmem:s29+$0x0] =	vst v59  }
0x46: {  	[tilespmem:s29+$0xFFFFFFF0] =	vst v61  }
0x47: {  	v0 =	vld [tilespmem:$0x2F40]  }
0x48: {  	v62 =	vld [tilespmem:$0x3740];
	_ =	sdelay $0x6  }
0x49: {  	v2 =	vld.idx.msk [tilespmem:v0+s3+$0x0], $0xffff  }
0x4a: {  	v3 =	vld.idx.msk [tilespmem:v62+s3+$0x0], $0xffff;
	_ =	sdelay $0x1  }
0x4b: {  	v63 =	vld [tilespmem:$0x3F40];
	_ =	sdelay $0x2  }
0x4c: {  	v2 =	vmul.f32 v3, v2  }
0x4d: {  	v1 =	vshll.u32 v62, $0x10  }
0x4e: {  	v0 =	vor.u32 v0, v1;
	v2 =	vmul.f32 v2, v63  }
0x4f: {  	[tilespmem:$0x4740] =	vst v0  }
0x50: {  	s30 =	sadd.s32 s7, s19;
	[tilespmem:$0x4F40] =	vst v2  }
0x51: {  	[hbm4b:s30+s3] =	stream.linear.scatter [tilespmem:s15], [sflag:$0x1], $0x7D0, $0x38;
	[tilespmem:$0x4F80] =	vst v63  }
0x52: {  	s18 =	sadd.s32 $0x1, s18;
	_ =	swait.ge [sflag:s11], $0x7D0  }
0x53: {  	p0 =	sne.s32 s18, $0x5;
	[sflag:s11] =	ssyncset.done $0x0  }
.Ltmp1:
0x54: {  	s31 =	sadd.s32 s8, s19;
	[sflag:s11] =	ssyncadd.s32 $0xFFFFF830;
	(pc) =	sbr.rel @p0 .LBB2_2-.Ltmp1, $4  }
0x55: {  	[hbm4b:s31+s3] =	stream.linear.scatter [tilespmem:s16], [sflag:$0x1], $0x7D0, $0x38;
	[tilespmem:$0x4F80] =	vst v63  }
0x56: {  	_ =	swait.ge [sflag:s11], $0x7D0  }
0x57: {  	[sflag:s11] =	ssyncset.done $0x0  }
0x58: {  	[sflag:s11] =	ssyncadd.s32 $0xFFFFF830  }
0x59: {  	s17 =	sadd.s32 $0x1, s17  }
0x5a: {  	p0 =	sne.s32 s17, s10  }
.Ltmp2:
0x5b: {  	_ = 	snop;
	(pc) =	sbr.rel @p0 .LBB2_1-.Ltmp2, $1  }
0x5c: {  	_ =	sdelay $0x3  }
0x5d: {  	_ =	sfence.sel $0x180000  }
0x5e: {  	[bflag:$0x0] =	sbarrier.arrive $0xFFFF  }
0x5f: {  	p0 =	sne.s32 s4, $0x0;
	_ =	strace $0x90000047  }
0x60: {  	s0 =	sadd.s32 @!p0 $0x100000, s0;
	[bflag:$0x2] =	sbarrier.arrive $0xFFFF  }
0x61: {  	[sflag:s0] =	ssyncadd.tile.s32 @!p0 $0x1;
	_ =	shalt  }
.Lfunc_end2:
_tile_overlayer_lowered:
.L_overlay_start_2:
0x62: {  	(tag) =	ssettag $0x2  }
0x63: {  	s0 =	rddreg [dreg:$0x0];
	s2 =	stileid.u32  }
0x64: {  	s1 =	rddreg [dreg:$0x1];
	p0 =	sne.s32 s2, $0x0  }
0x65: {  	s3 =	rddreg [dreg:$0x2];
	[bflag:$0x3] =	sbarrier.arrive $0xFFFF;
	s2 =	simm.s32 @!p0 $0x1C01  }
0x66: {  	[timem:s3], [sflag:s2] =	dma.local @!p0 [hbm:s0], s1  }
0x67: {  	s0 =	simm.s32 @!p0 $0x1  }
0x68: {  	_ =	swait.ge @!p0 [sflag:s0], s1  }
0x69: {  	s1 =	ssub.s32 @!p0 $0x0, s1;
	[sflag:s0] =	ssyncset.done @!p0 $0x0  }
0x6a: {  	[sflag:s0] =	ssyncadd.s32 @!p0 s1  }
0x6b: {  	[bflag:$0x3] =	sbarrier.arrive $0xFFFF  }
0x6c: {  	_ =	shalt  }

// kernel: kernel.7.cloned.1.call-start
scs
__scs_entry_jumppad:
0x0: {  	(pc) =	sbr.rel $0x88, $3  }
0x1: {  	(tag) =	ssettag $0x0;
	lr =	simm.s32 $0x1  }
0x2: {  	[smem:$0x3F9D] =	sst lr;
	_ =	strace $0xD0000000  }
0x3: {  	_ = 	snop  }
0x4: {  	_ = 	snop  }
0x5: {  	_ = 	snop  }
0x6: {  	_ = 	snop  }
0x7: {  	_ = 	snop  }
__scs_overlays_trampoline_lowered:
0x8: {  	[smem:$0x3FAC] =	sst s0  }
0x9: {  	[smem:$0x3FAD] =	sst s1  }
0xa: {  	[smem:$0x3FAE] =	sst s2  }
0xb: {  	[smem:$0x3FAF] =	sst s3  }
0xc: {  	[smem:$0x3FB0] =	sst s4  }
0xd: {  	[smem:$0x3FB1] =	sst s5  }
0xe: {  	[smem:$0x3FB2] =	sst s6  }
0xf: {  	[smem:$0x3FB3] =	sst s7  }
0x10: {  	[smem:$0x3FB4] =	sst s8  }
0x11: {  	[smem:$0x3FB5] =	sst s9;
	s0 =	simm.s32 @!p0 $0x0  }
0x12: {  	s1 =	sld [smem:$0x3F9B];
	s0 =	simm.s32 @p0 $0x1  }
0x13: {  	[smem:$0x3FB6] =	sst s0;
	s0 =	simm.s32 @!p1 $0x0  }
0x14: {  	s2 =	sld [smem:$0x3F9A];
	s0 =	simm.s32 @p1 $0x1  }
0x15: {  	[smem:$0x3FB7] =	sst s0;
	s0 =	simm.s32 @!p2 $0x0  }
0x16: {  	s3 =	sld [smem:$0x3FDB];
	s0 =	simm.s32 @p2 $0x1  }
0x17: {  	s4 =	simm.s32 $0x1BF5;
	[smem:$0x3FB9] =	sst s0  }
0x18: {  	s0 =	sld [smem:$0x3F9C];
	_ =	swait.ge [sflag:s4], $0x0  }
0x19: {  	s7 =	sld [smem:$0x3F9D]  }
0x1a: {  	s8 =	sadd.s32 $0xFFFFE003, lr  }
0x1b: {  	s9 =	sadd.s32 $0xFFFFFEF7, lr;
	s5 =	simm.s32 $0xFFFFFFFF;
	p2 =	slt.u32 s8, $0xFFFFF086  }
0x1c: {  	p1 =	slt.u32 s9, $0xF7A;
	s5 =	simm.s32 @!p2 $0x0  }
0x1d: {  	s5 =	simm.s32 @p1 $0x1;
	p0 =	seq.s32 s7, s2  }
0x1e: {  	s7 =	smul.u32 @!p0 $0xF7A, s2;
	p2 =	seq.s32 @!p0 s5, $0x0  }
0x1f: {  	s9 =	smul.u32 $0xF7A, s1;
	s8 =	simm.s32 @!p0 $0x1BF5;
	p2 =	por !p2, p0  }
0x20: {  	[sflag:s8] =	ssyncset.s32 @!p0 $0xFFFFF086;
	s6 =	sadd.s32 @!p0 s3, s7;
	s7 =	simm.s32 @!p0 $0x108  }
0x21: {  	s3 =	sadd.s32 s3, s9;
	s6 =	sadd.s32 @!p0 $0x88, s6;
	s7 =	simm.s32 @p2 $0x1082  }
0x22: {  	[simem:s7], [sflag:s8] =	dma.local @!p0 [hbm:s6], $0xF7A  }
0x23: {  	s9 =	sor.u32 $0xD0000000, s2;
	s6 =	simm.s32 $0x108;
	_ =	swait.ge @!p0 [sflag:s8], $0x0  }
0x24: {  	s3 =	sadd.s32 $0x88, s3;
	s6 =	simm.s32 @!p1 $0x1082;
	[sflag:s4] =	ssyncset.s32 $0xFFFFF086  }
0x25: {  	[simem:s6], [sflag:s4] =	dma.local [hbm:s3], $0xF7A  }
0x26: {  	[smem:$0x3F9D] =	sst s1;
	(tag) =	ssettag s2;
	_ =	strace s9  }
0x27: {  	s1 =	sld [smem:$0x3FAD]  }
0x28: {  	s2 =	sld [smem:$0x3FAE]  }
0x29: {  	s4 =	sld [smem:$0x3FB0]  }
0x2a: {  	p0 =	seq.s32 s5, $0x0;
	s5 =	sld [smem:$0x3FB1]  }
0x2b: {  	s6 =	sld [smem:$0x3FB2]  }
0x2c: {  	s7 =	sld [smem:$0x3FB3]  }
0x2d: {  	s3 =	simm.s32 $0x108;
	s8 =	sld [smem:$0x3FB4]  }
0x2e: {  	s3 =	simm.s32 @!p0 $0x1082;
	s9 =	sld [smem:$0x3FB5]  }
0x2f: {  	lr =	sadd.s32 s0, s3;
	s0 =	sld [smem:$0x3FAC]  }
0x30: {  	s3 =	sld [smem:$0x3FAF]  }
0x31: {  	[smem:$0x3FB8] =	sst s10  }
0x32: {  	s10 =	sld [smem:$0x3FB6];
	_ =	sdelay $0x3  }
0x33: {  	p0 =	seq.s32 s10, $0x1;
	s10 =	sld [smem:$0x3FB8];
	_ =	sdelay $0x3  }
0x34: {  	[smem:$0x3FB8] =	sst s10  }
0x35: {  	s10 =	sld [smem:$0x3FB7];
	_ =	sdelay $0x3  }
0x36: {  	p1 =	seq.s32 s10, $0x1;
	s10 =	sld [smem:$0x3FB8];
	_ =	sdelay $0x3  }
0x37: {  	[smem:$0x3FB8] =	sst s10  }
0x38: {  	s10 =	sld [smem:$0x3FB9]  }
0x39: {  	_ = 	snop;
	(pc) =	sbr.ind lr, $3  }
0x3a: {  	_ = 	snop  }
0x3b: {  	_ = 	snop  }
0x3c: {  	p2 =	seq.s32 s10, $0x1;
	s10 =	sld [smem:$0x3FB8]  }
0x3d: {  	_ =	shalt  }
0x3e: {  	_ =	shalt  }
0x3f: {  	_ =	shalt  }
0x40: {  	_ =	shalt  }
0x41: {  	_ =	shalt  }
0x42: {  	_ =	shalt  }
0x43: {  	_ =	shalt  }
0x44: {  	_ =	shalt  }
0x45: {  	_ =	shalt  }
0x46: {  	_ =	shalt  }
0x47: {  	_ =	shalt  }
0x48: {  	_ =	shalt  }
0x49: {  	_ =	shalt  }
0x4a: {  	_ =	shalt  }
0x4b: {  	_ =	shalt  }
0x4c: {  	_ =	shalt  }
0x4d: {  	_ =	shalt  }
0x4e: {  	_ =	shalt  }
0x4f: {  	_ =	shalt  }
0x50: {  	_ =	shalt  }
0x51: {  	_ =	shalt  }
0x52: {  	_ =	shalt  }
0x53: {  	_ =	shalt  }
0x54: {  	_ =	shalt  }
0x55: {  	_ =	shalt  }
0x56: {  	_ =	shalt  }
0x57: {  	_ =	shalt  }
0x58: {  	_ =	shalt  }
0x59: {  	_ =	shalt  }
0x5a: {  	_ =	shalt  }
0x5b: {  	_ =	shalt  }
0x5c: {  	_ =	shalt  }
0x5d: {  	_ =	shalt  }
0x5e: {  	_ =	shalt  }
0x5f: {  	_ =	shalt  }
0x60: {  	_ =	shalt  }
0x61: {  	_ =	shalt  }
0x62: {  	_ =	shalt  }
0x63: {  	_ =	shalt  }
0x64: {  	_ =	shalt  }
0x65: {  	_ =	shalt  }
0x66: {  	_ =	shalt  }
0x67: {  	_ =	shalt  }
0x68: {  	_ =	shalt  }
0x69: {  	_ =	shalt  }
0x6a: {  	_ =	shalt  }
0x6b: {  	_ =	shalt  }
0x6c: {  	_ =	shalt  }
0x6d: {  	_ =	shalt  }
0x6e: {  	_ =	shalt  }
0x6f: {  	_ =	shalt  }
0x70: {  	_ =	shalt  }
0x71: {  	_ =	shalt  }
0x72: {  	_ =	shalt  }
0x73: {  	_ =	shalt  }
0x74: {  	_ =	shalt  }
0x75: {  	_ =	shalt  }
0x76: {  	_ =	shalt  }
0x77: {  	_ =	shalt  }
0x78: {  	_ =	shalt  }
0x79: {  	_ =	shalt  }
0x7a: {  	_ =	shalt  }
0x7b: {  	_ =	shalt  }
0x7c: {  	_ =	shalt  }
0x7d: {  	_ =	shalt  }
0x7e: {  	_ =	shalt  }
0x7f: {  	_ =	shalt  }
0x80: {  	_ =	shalt  }
0x81: {  	_ =	shalt  }
0x82: {  	_ =	shalt  }
0x83: {  	_ =	shalt  }
0x84: {  	_ =	shalt  }
0x85: {  	_ =	shalt  }
0x86: {  	_ =	shalt  }
0x87: {  	_ =	shalt  }
.Lfunc_end0:
.L_simem_size_0:
called_computation.1_lowered:
.L_overlay_start_0:
0x88: {  	s2 =	sld [smem:$0x3FD9]  }
0x89: {  	s3 =	sld [smem:$0x3FFE];
	_ =	sdelay $0x1  }
0x8a: {  	s1 =	srdreg.scid  }
0x8b: {  	s0 =	sand.u32 $0x1, s1  }
0x8c: {  	s16 =	sshll.u32 s0, $0xA;
	s2 =	sadd.s32 s3, s2  }
0x8d: {  	s2 =	sadd.s32 s2, s16  }
0x8e: {  	[smem:$0x3FC4] =	sst s2  }
0x8f: {  	_ = 	snop  }
0x90: {  	(tm) =	ssettm $0x1  }
0x91: {  	s17 =	sld [smem:$0x3FFB];
	_ =	sdelay $0x3  }
0x92: {  	_ =	strace s17  }
0x93: {  	s2 =	sld [smem:$0x3FFC];
	_ =	sdelay $0x3  }
0x94: {  	_ =	strace s2  }
0x95: {  	s2 =	sld [smem:$0x3FFD];
	_ =	sdelay $0x3  }
0x96: {  	_ =	strace s2  }
0x97: {  	_ =	strace $0x8FFFFFFF  }
0x98: {  	s18 =	sld [smem:$0x3FDB];
	_ =	sdelay $0x1  }
0x99: {  	s19 =	simm.s32 $_scs_section_size  }
0x9a: {  	s4 =	simm.s32 $_size__tile_overlayer_lowered;
	s5 =	simm.s32 $_tile_overlayer_lowered  }
0x9b: {  	s22 =	simm.s32 $0x1BFF;
	s21 =	sshll.u32 s5, $0x1;
	s2 =	sadd.s32 s19, s18  }
0x9c: {  	s6 =	simm.s32 $0x0;
	s20 =	sshll.u32 s4, $0x1;
	s4 =	sadd.s32 s21, s2  }
0x9d: {  	[timem:s6], [sflag:s22] =	dma.local [hbm:s4], s20  }
0x9e: {  	_ =	swait.ge [sflag:s22], s20  }
0x9f: {  	s3 =	ssub.s32 $0x0, s20;
	[sflag:s22] =	ssyncset.done $0x0  }
0xa0: {  	[sflag:s22] =	ssyncadd.s32 s3;
	_ =	sdelay $0x1  }
0xa1: {  	s23 =	simm.s32 $0x1B8B  }
0xa2: {  	_ =	swait.ge [sflag:s23], $0x1  }
0xa3: {  	[sflag:s23] =	ssyncset.done $0x0  }
0xa4: {  	s25 =	simm.s32 $0x1B8E;
	s24 =	sld [smem:$0x3FFE];
	[sflag:s23] =	ssyncadd.s32 $0xFFFFFFFF  }
0xa5: {  	s26 =	simm.s32 $execute0_lowered;
	[smem:$0x3FD2] =	sst s25  }
0xa6: {  	s4 =	sshll.u32 s26, $0x1;
	_ =	strace $0x80000049;
	[dreg:$0x1] =	wrdreg $0xFFFFFFFF  }
0xa7: {  	s28 =	simm.s32 $_size_execute0_lowered;
	s2 =	sadd.s32 s2, s4;
	[dreg:$0x0] =	wrdreg $0x0  }
0xa8: {  	s4 =	sshll.u32 s28, $0x1;
	[dreg:$0x2] =	wrdreg s2  }
0xa9: {  	[dreg:$0x3] =	wrdreg s4  }
0xaa: {  	[dreg:$0x4] =	wrdreg $0xC0  }
0xab: {  	_ =	task [dreg:s6], $0x5FFFF  }
0xac: {  	[dreg:$0x1] =	wrdreg $0xFFFFFFFF  }
0xad: {  	[dreg:$0x0] =	wrdreg $0x60  }
0xae: {  	[dreg:$0x2] =	wrdreg s24  }
0xaf: {  	[dreg:$0x3] =	wrdreg $0x9  }
0xb0: {  	_ =	task.clear_ibuf [dreg:s6], $0x4FFFF;
	_ =	strace $0x90000049  }
0xb1: {  	s29 =	simm.s32 $0x9;
	_ =	strace $0x8000004B  }
0xb2: {  	_ =	swait.ge [sflag:s29], $0x1  }
0xb3: {  	[sflag:s29] =	ssyncadd.s32 $0xFFFFFFFF  }
0xb4: {  	_ =	strace $0x9000004B  }
0xb5: {  	_ =	sfence  }
0xb6: {  	s30 =	sld [smem:$0x0];
	_ =	sdelay $0x2  }
0xb7: {  	s31 =	sshll.u32 s1, $0xD;
	s1 =	sshrl.u32 s1, $0x2  }
0xb8: {  	s3 =	sand.u32 $0x4000, s31;
	s1 =	sadd.s32 s1, s30  }
0xb9: {  	s0 =	sor.u32 s3, s0;
	s1 =	sshll.u32 s1, $0x11  }
0xba: {  	s0 =	sor.u32 s1, s0  }
0xbb: {  	s0 =	sadd.s32 $0x8F2B, s0  }
0xbc: {  	[sflag:s0] =	ssyncadd.remote.s32 $0x1  }
0xbd: {  	_ =	sfence.sel $0xFFFF  }
0xbe: {  	[dreg:$0x0] =	wrdreg $0xFFFFFFFF;
	(pc) =	sbr.abs _section_cstart, $3  }
0xbf: {  	[dreg:$0x1] =	wrdreg $0xFFFFFFFF  }
0xc0: {  	_ =	task.clear_ibuf [dreg:s6], $0x2FFFF;
	_ =	strace $0x9FFFFFFF  }
0xc1: {  	(tm) =	ssettm $0x7FFFFFFF  }
tec
execute0_lowered:
.L_overlay_start_1:
0x0: {  	(tag) =	ssettag $0x1  }
0x1: {  	s5 =	rddreg [dreg:$0x0]  }
0x2: {  	s0 =	rddreg [dreg:$0x1]  }
0x3: {  	s2 =	simm.s32 $0x0;
	s3 =	srdreg.scid;
	s1 =	stileid.u32  }
0x4: {  	s12 =	simm.s32 $0x2710;
	s13 =	simm.s32 $0x4E20;
	s14 =	simm.s32 $0x7530  }
0x5: {  	s15 =	simm.s32 $0x13900;
	s16 =	simm.s32 $0x17780;
	s17 =	simm.s32 $0x1  }
0x6: {  	s18 =	simm.s32 $0x9C80;
	s19 =	simm.s32 $0x1B600;
	s20 =	simm.s32 $0x0  }
0x7: {  	[smem:$0x7FF] =	sst s2;
	s6 =	sand.u32 $0x1, s3;
	s29 =	sshll.u32 s1, $0x1  }
0x8: {  	s7 =	sadd.s32 $0x28400, s5;
	s3 =	sadd.s32 $0x14800, s5;
	s8 =	sor.u32 s6, s29  }
0x9: {  	v0 =	vimm.f32 $0.0e+00;
	s4 =	sadd.s32 $0x1E600, s5;
	_ =	strace $0x8000004A;
	s9 =	smul.u32 $0x9C40, s8  }
0xa: {  	vm0 =	vmmov $0x1;
	vm1 =	vcmask $0x1F10;
	vm2 =	vcmask $0x330;
	s6 =	ssub.s32 $0x2, s6;
	s10 =	sshll.u32 s8, $0x4;
	s8 =	smul.u32 $0x1388, s8  }
0xb: {  	vm3 =	vcmask $0x2310;
	vm4 =	vcmask $0x730;
	vm5 =	vcmask $0x2710;
	s30 =	sshrl.u32 s6, $0x1;
	s10 =	sadd.s32 s10, s5;
	s9 =	sshrl.u32 s9, $0x3  }
0xc: {  	vm6 =	vcmask $0xB30;
	vm7 =	vcmask $0x2B10;
	vm1 =	vmor vm2, vm1;
	s11 =	ssub.s32 s6, s30;
	s5 =	sadd.s32 s7, s8;
	s31 =	sadd.s32 s7, s9  }
0xd: {  	vm2 =	vmor vm2, vm3;
	vm3 =	vmor vm4, vm3;
	vm4 =	vmor vm4, vm5;
	s9 =	sadd.s32 $0xC00, s10;
	s10 =	smax.u32 s11, $0x1;
	s11 =	simm.s32 $0x2  }
0xe: {  	vm5 =	vmor vm6, vm5;
	vm6 =	vmor vm6, vm7;
	vm7 =	vcmask $0x2B30;
	s6 =	sadd.s32 $0x4E2, s31;
	s7 =	sadd.s32 $0x9C4, s31;
	s8 =	sadd.s32 $0xEA6, s31  }
.LBB2_1:
0xf: {  	[tilespmem:s2], [sflag:$0x2] =	stream.linear.gather [hbm4b:s5+s2], $0x2710, $0x38;
	[tilespmem:$0x1B680] =	vst v63  }
0x10: {  	_ =	swait.ge [sflag:s11], $0x2710  }
0x11: {  	[sflag:s11] =	ssyncset.done $0x0  }
0x12: {  	[sflag:s11] =	ssyncadd.s32 $0xFFFFD8F0  }
0x13: {  	[tilespmem:s12], [sflag:$0x2] =	stream.linear.gather [hbm4b:s6+s2], $0x2710, $0x38;
	[tilespmem:$0x1B680] =	vst v63  }
0x14: {  	_ =	swait.ge [sflag:s11], $0x2710  }
0x15: {  	[sflag:s11] =	ssyncset.done $0x0  }
0x16: {  	[sflag:s11] =	ssyncadd.s32 $0xFFFFD8F0  }
0x17: {  	[tilespmem:s13], [sflag:$0x2] =	stream.linear.gather [hbm4b:s7+s2], $0x2710, $0x38;
	[tilespmem:$0x1B680] =	vst v63  }
0x18: {  	_ =	swait.ge [sflag:s11], $0x2710  }
0x19: {  	[sflag:s11] =	ssyncset.done $0x0  }
0x1a: {  	[sflag:s11] =	ssyncadd.s32 $0xFFFFD8F0  }
0x1b: {  	[tilespmem:s14], [sflag:$0x2] =	stream.linear.gather [hbm4b:s8+s2], $0x2710, $0x38;
	[tilespmem:$0x1B680] =	vst v63  }
0x1c: {  	_ =	swait.ge [sflag:s11], $0x2710  }
0x1d: {  	[sflag:s11] =	ssyncset.done $0x0  }
0x1e: {  	s21 =	simm.s32 $0x40;
	s22 =	simm.s32 $0x0;
	[sflag:s11] =	ssyncadd.s32 $0xFFFFD8F0  }
.LBB2_2:
0x1f: {  	p0 =	sne.s32 s21, $0x270C0;
	[tilespmem:s22+$0x9C80] =	vst v0;
	s22 =	smov.u32 s21;
	s21 =	sadd.s32 $0x40, s21  }
.Ltmp0:
0x20: {  	(pc) =	sbr.rel @p0 .LBB2_2-.Ltmp0, $2  }
0x21: {  	_ =	sdelay $0x2  }
0x22: {  	s22 =	sshra.s32 s22, $0x2  }
0x23: {  	[tilespmem:s22+$0x9C80] =	vst v0;
	s21 =	simm.s32 $0x0  }
0x24: {  	[tilespmem:s15], [sflag:$0x1] =	stream.linear.gather [hbm4b:s3+s21], $0x1F40, $0x38;
	[tilespmem:$0x1B680] =	vst v63  }
0x25: {  	_ = 	snop  }
0x26: {  	[tilespmem:s16], [sflag:$0x1] =	stream.linear.gather [hbm4b:s4+s21], $0x1F40, $0x38;
	[tilespmem:$0x1B680] =	vst v63  }
.LBB2_5:
0x27: {  	s22 =	smov.u32 s21  }
0x28: {  	_ =	swait.ge [sflag:s17], $0x1F40;
	s21 =	sadd.s32 $0x1, s21;
	p0 =	seq.s32 s22, $0x27  }
0x29: {  	[sflag:s17] =	ssyncset.done $0x0;
	s22 =	sand.u32 $0x1, s22;
	s23 =	sand.u32 @!p0 $0x1, s21  }
0x2a: {  	[sflag:s17] =	ssyncadd.s32 $0xFFFFE0C0;
	s24 =	smul.u32 @!p0 $0x3E8, s21;
	s28 =	simm.s32 @!p0 $0x0  }
0x2b: {  	p1 =	seq.s32 @!p0 s23, $0x1;
	_ =	swait.ge [sflag:s17], $0x1F40;
	s23 =	simm.s32 @!p0 $0x1F40  }
0x2c: {  	p1 =	por !p1, p0;
	[sflag:s17] =	ssyncset.done $0x0;
	s26 =	sadd.s32 @!p0 s3, s24  }
0x2d: {  	s23 =	simm.s32 @p1 $0x0;
	p1 =	seq.s32 s22, $0x1;
	s22 =	simm.s32 $0x1F40  }
0x2e: {  	[sflag:s17] =	ssyncadd.s32 $0xFFFFE0C0;
	s25 =	sadd.s32 @!p0 $0x13900, s23;
	s22 =	simm.s32 @!p1 $0x0  }
0x2f: {  	[tilespmem:s25], [sflag:$0x1] =	stream.linear.gather @!p0 [hbm4b:s26+s28], $0x1F40, $0x38;
	[tilespmem:$0x1B680] =	vst v63  }
0x30: {  	s24 =	sadd.s32 @!p0 s4, s24;
	s23 =	sadd.s32 @!p0 $0x17780, s23;
	s30 =	sadd.s32 $0x13910, s22  }
0x31: {  	[tilespmem:s23], [sflag:$0x1] =	stream.linear.gather @!p0 [hbm4b:s24+s28], $0x1F40, $0x38;
	[tilespmem:$0x1B680] =	vst v63  }
0x32: {  	v1 =	vld [tilespmem:s30+$0x0];
	_ =	sdelay $0x4  }
0x33: {  	v4 =	vand.u32 $0xFFFF, v1;
	_ =	sdelay $0x2  }
0x34: {  	s22 =	sadd.s32 $0x17790, s22;
	v2 =	vld [tilespmem:s30+$0xFFFFFFF0]  }
0x35: {  	v9 =	vld [tilespmem:s22+$0x0]  }
0x36: {  	v3 =	vld.idx.msk [tilespmem:v4+s2+$0x0], $0xffff;
	_ =	sdelay $0x3  }
0x37: {  	v7 =	vand.u32 $0xFFFF, v2  }
0x38: {  	v11 =	vshrl.u32 v1, $0x10;
	v3 =	vmul.f32 v3, v9  }
0x39: {  	s23 =	sadd.s32 $0x20, s30;
	v6 =	vadd.s32 $0x2710, v4  }
0x3a: {  	v5 =	vld [tilespmem:s23+$0x0];
	v8 =	vmul.f32 $9.999999770e-03, v3  }
0x3b: {  	v1 =	vld [tilespmem:s22+$0xFFFFFFF0]  }
0x3c: {  	v10 =	vld.idx.msk [tilespmem:v7+s2+$0x0], $0xffff;
	v3 =	vmax.f32 v3, v8  }
0x3d: {  	[tilespmem:v11+s18+$0x0] =	vst.idx.add.f32.msk $0xffff, v3  }
0x3e: {  	v3 =	vld.idx.msk [tilespmem:v6+s2+$0x0], $0xffff  }
0x3f: {  	v8 =	vand.u32 $0xFFFF, v5;
	_ =	sdelay $0x1  }
0x40: {  	v12 =	vshrl.u32 v2, $0x10;
	v2 =	vmul.f32 v10, v1  }
0x41: {  	s22 =	sadd.s32 $0x20, s22;
	v10 =	vadd.s32 $0x2710, v7;
	v6 =	vld [tilespmem:s23+$0xFFFFFFF0]  }
0x42: {  	v15 =	vadd.s32 $0x2710, v11;
	v18 =	vld [tilespmem:s22+$0x0];
	v14 =	vmul.f32 $9.999999770e-03, v2;
	v3 =	vmul.f32 v3, v9  }
0x43: {  	v16 =	vadd.s32 $0x4E20, v4;
	v13 =	vld.idx.msk [tilespmem:v8+s2+$0x0], $0xffff  }
0x44: {  	v2 =	vmax.f32 v2, v14;
	v14 =	vmul.f32 $9.999999770e-03, v3  }
0x45: {  	[tilespmem:v12+s18+$0x0] =	vst.idx.add.f32.msk $0xffff, v2  }
0x46: {  	v10 =	vld.idx.msk [tilespmem:v10+s2+$0x0], $0xffff;
	v17 =	vand.u32 $0xFFFF, v6;
	v2 =	vmax.f32 v3, v14  }
0x47: {  	[tilespmem:v15+s18+$0x0] =	vst.idx.add.f32.msk $0xffff, v2  }
0x48: {  	v19 =	vshrl.u32 v5, $0x10;
	s23 =	sadd.s32 $0x20, s23;
	v3 =	vmul.f32 v13, v18;
	v5 =	vld.idx.msk [tilespmem:v16+s2+$0x0], $0xffff  }
0x49: {  	v15 =	vld [tilespmem:s23+$0x0]  }
0x4a: {  	v13 =	vadd.s32 $0x2710, v8;
	v2 =	vld [tilespmem:s22+$0xFFFFFFF0];
	v14 =	vmul.f32 $9.999999770e-03, v3  }
0x4b: {  	v16 =	vld.idx.msk [tilespmem:v17+s2+$0x0], $0xffff  }
0x4c: {  	v10 =	vmul.f32 v10, v1;
	v3 =	vmax.f32 v3, v14;
	v14 =	vadd.s32 $0x2710, v12  }
0x4d: {  	[tilespmem:v19+s18+$0x0] =	vst.idx.add.f32.msk $0xffff, v3;
	v3 =	vadd.s32 $0x4E20, v11;
	v20 =	vmul.f32 v5, v9  }
0x4e: {  	v21 =	vmul.f32 $9.999999770e-03, v10;
	v5 =	vand.u32 $0xFFFF, v15  }
0x4f: {  	v13 =	vld.idx.msk [tilespmem:v13+s2+$0x0], $0xffff;
	v22 =	vmul.f32 $9.999999770e-03, v20  }
0x50: {  	v23 =	vshrl.u32 v6, $0x10;
	v6 =	vmax.f32 v10, v21;
	v10 =	vmul.f32 v16, v2;
	v16 =	vld [tilespmem:s23+$0xFFFFFFF0]  }
0x51: {  	v21 =	vadd.s32 $0x2710, v17;
	[tilespmem:v14+s18+$0x0] =	vst.idx.add.f32.msk $0xffff, v6;
	v6 =	vmax.f32 v20, v22  }
0x52: {  	v14 =	vmul.f32 $9.999999770e-03, v10;
	[tilespmem:v3+s18+$0x0] =	vst.idx.add.f32.msk $0xffff, v6  }
0x53: {  	s22 =	sadd.s32 $0x20, s22;
	v22 =	vld.idx.msk [tilespmem:v5+s2+$0x0], $0xffff  }
0x54: {  	v13 =	vmul.f32 v13, v18;
	v10 =	vmax.f32 v10, v14;
	v6 =	vadd.s32 $0x2710, v19;
	v3 =	vld [tilespmem:s22+$0x0]  }
0x55: {  	[tilespmem:v23+s18+$0x0] =	vst.idx.add.f32.msk $0xffff, v10  }
0x56: {  	v20 =	vadd.s32 $0x4E20, v8;
	v14 =	vmul.f32 $9.999999770e-03, v13;
	v21 =	vld.idx.msk [tilespmem:v21+s2+$0x0], $0xffff  }
0x57: {  	v10 =	vadd.s32 $0x7530, v4  }
0x58: {  	v24 =	vand.u32 $0xFFFF, v16;
	v4 =	vmax.f32 v13, v14  }
0x59: {  	[tilespmem:v6+s18+$0x0] =	vst.idx.add.f32.msk $0xffff, v4  }
0x5a: {  	v13 =	vadd.s32 $0x4E20, v7;
	v4 =	vld [tilespmem:s22+$0xFFFFFFF0]  }
0x5b: {  	v6 =	vshrl.u32 v15, $0x10;
	v15 =	vmul.f32 v22, v3;
	v14 =	vld.idx.msk [tilespmem:v20+s2+$0x0], $0xffff;
	v21 =	vmul.f32 v21, v2  }
0x5c: {  	v25 =	vld.idx.msk [tilespmem:v10+s2+$0x0], $0xffff  }
0x5d: {  	s31 =	sadd.s32 $0x20, s23;
	v22 =	vadd.s32 $0x2710, v5;
	v20 =	vld.idx.msk [tilespmem:v24+s2+$0x0], $0xffff;
	v10 =	vmul.f32 $9.999999770e-03, v15;
	v29 =	vmul.f32 $9.999999770e-03, v21  }
0x5e: {  	v35 =	vadd.s32 $0x7530, v7;
	v27 =	vld [tilespmem:s31+$0x0];
	v26 =	vadd.s32 $0x2710, v23  }
0x5f: {  	v13 =	vld.idx.msk [tilespmem:v13+s2+$0x0], $0xffff;
	v10 =	vmax.f32 v15, v10;
	v7 =	vmax.f32 v21, v29;
	v29 =	vadd.s32 $0x4E20, v17  }
0x60: {  	v15 =	vadd.s32 $0x4E20, v19;
	[tilespmem:v6+s18+$0x0] =	vst.idx.add.f32.msk $0xffff, v10;
	v14 =	vmul.f32 v14, v18  }
0x61: {  	v28 =	vadd.s32 $0x4E20, v12;
	v30 =	vadd.s32 $0x7530, v8;
	v21 =	vld [tilespmem:s31+$0xFFFFFFF0]  }
0x62: {  	v31 =	vshrl.u32 v16, $0x10;
	v16 =	vmul.f32 v20, v4;
	v20 =	vld.idx.msk [tilespmem:v22+s2+$0x0], $0xffff;
	v8 =	vmul.f32 $9.999999770e-03, v14  }
0x63: {  	v61 =	vadd.s32 $0x7530, v19;
	v10 =	vadd.s32 $0x7530, v17;
	v17 =	vadd.s32 $0x7530, v11;
	[tilespmem:v26+s18+$0x0] =	vst.idx.add.f32.msk $0xffff, v7  }
0x64: {  	v22 =	vadd.s32 $0x2710, v24;
	v32 =	vmul.f32 $9.999999770e-03, v16;
	v8 =	vmax.f32 v14, v8;
	v33 =	vld.idx.msk [tilespmem:v29+s2+$0x0], $0xffff  }
0x65: {  	v9 =	vmul.f32 v25, v9;
	v7 =	vadd.s32 $0x7530, v12;
	v14 =	vand.u32 $0xFFFF, v27;
	[tilespmem:v15+s18+$0x0] =	vst.idx.add.f32.msk $0xffff, v8  }
0x66: {  	v12 =	vadd.s32 $0x4E20, v23;
	v16 =	vmax.f32 v16, v32;
	v8 =	vadd.s32 $0x7530, v23;
	v23 =	vld.idx.msk [tilespmem:v30+s2+$0x0], $0xffff  }
0x67: {  	s22 =	sadd.s32 $0x20, s22;
	v11 =	vadd.s32 $0x4E20, v31;
	v26 =	vmul.f32 $9.999999770e-03, v9;
	v25 =	vmul.f32 v13, v1;
	[tilespmem:v31+s18+$0x0] =	vst.idx.add.f32.msk $0xffff, v16  }
0x68: {  	v13 =	vadd.s32 $0x7530, v24;
	v60 =	vmul.f32 v20, v3;
	v20 =	vld [tilespmem:s22+$0x0];
	v30 =	vadd.s32 $0x2710, v6  }
0x69: {  	v26 =	vmax.f32 v9, v26;
	v29 =	vadd.s32 $0x4E20, v5;
	v36 =	vand.u32 $0xFFFF, v21;
	v22 =	vld.idx.msk [tilespmem:v22+s2+$0x0], $0xffff  }
0x6a: {  	v16 =	vadd.s32 $0x4E20, v24;
	v24 =	vmul.f32 $9.999999770e-03, v25;
	v37 =	vmul.f32 $9.999999770e-03, v60;
	v34 =	vld.idx.msk [tilespmem:v14+s2+$0x0], $0xffff  }
0x6b: {  	v9 =	vadd.s32 $0x7530, v31;
	[tilespmem:v17+s18+$0x0] =	vst.idx.add.f32.msk $0xffff, v26;
	v15 =	vadd.s32 $0x2710, v31;
	v23 =	vmul.f32 v23, v18  }
0x6c: {  	v17 =	vld [tilespmem:s22+$0xFFFFFFF0];
	v31 =	vmax.f32 v25, v24;
	v24 =	vshrl.u32 v21, $0x10;
	v21 =	vmax.f32 v60, v37  }
0x6d: {  	v32 =	vadd.s32 $0x2710, v14;
	v25 =	vadd.s32 $0x2710, v36;
	[tilespmem:v30+s18+$0x0] =	vst.idx.add.f32.msk $0xffff, v21;
	v21 =	vmul.f32 $9.999999770e-03, v23  }
0x6e: {  	v26 =	vadd.s32 $0x2710, v24;
	v39 =	vmul.f32 v33, v2;
	v38 =	vmul.f32 v22, v4;
	v29 =	vld.idx.msk [tilespmem:v29+s2+$0x0], $0xffff  }
0x6f: {  	v30 =	vld.idx.msk [tilespmem:v36+s2+$0x0], $0xffff;
	v33 =	vmul.f32 v34, v20;
	v62 =	vmax.f32 v23, v21;
	v21 =	vshrl.u32 v27, $0x10  }
0x70: {  	v19 =	vadd.s32 $0x4E20, v24;
	[tilespmem:v28+s18+$0x0] =	vst.idx.add.f32.msk $0xffff, v31;
	v63 =	vmul.f32 $9.999999770e-03, v39;
	v31 =	vmul.f32 $9.999999770e-03, v38  }
0x71: {  	v28 =	vld.idx.msk [tilespmem:v35+s2+$0x0], $0xffff;
	v22 =	vadd.s32 $0x4E20, v36;
	v18 =	vadd.s32 $0x7530, v36;
	v34 =	vmul.f32 $9.999999770e-03, v33  }
0x72: {  	s24 =	sadd.s32 $0x20, s31;
	s23 =	simm.s32 $0x6;
	v23 =	vadd.s32 $0x7530, v24;
	v31 =	vmax.f32 v38, v31;
	v27 =	vmax.f32 v39, v63;
	[tilespmem:v61+s18+$0x0] =	vst.idx.add.f32.msk $0xffff, v62  }
.LBB2_6:
0x73: {  	v35 =	vld [tilespmem:s24+$0x0];
	s23 =	sadd.s32 $0x2, s23;
	v33 =	vmax.f32 v33, v34;
	v34 =	vadd.s32 $0x4E20, v6;
	v29 =	vmul.f32 v29, v3;
	v36 =	vmovc v7;
	v7 =	vmovc v8  }
0x74: {  	v30 =	vmul.f32 v30, v17;
	v8 =	vmovc v9;
	p0 =	slt.u32 s23, $0x1F2;
	[tilespmem:v21+s18+$0x0] =	vst.idx.add.f32.msk $0xffff, v33;
	v33 =	vadd.s32 $0x7530, v5;
	v5 =	vmov v14  }
0x75: {  	v9 =	vmov v23;
	v32 =	vld.idx.msk [tilespmem:v32+s2+$0x0], $0xffff;
	v14 =	vmul.f32 $9.999999770e-03, v29  }
0x76: {  	v37 =	vmul.f32 $9.999999770e-03, v30;
	v23 =	vld [tilespmem:s24+$0xFFFFFFF0]  }
0x77: {  	v28 =	vmul.f32 v28, v1;
	[tilespmem:v15+s18+$0x0] =	vst.idx.add.f32.msk $0xffff, v31;
	v29 =	vmax.f32 v29, v14;
	v15 =	vmov v26  }
0x78: {  	v1 =	vmovc v2;
	v2 =	vmov v4;
	v26 =	vmax.f32 v30, v37;
	v14 =	vand.u32 $0xFFFF, v35;
	[tilespmem:v34+s18+$0x0] =	vst.idx.add.f32.msk $0xffff, v29  }
0x79: {  	v4 =	vmov v17;
	v30 =	vmul.f32 $9.999999770e-03, v28;
	v29 =	vld.idx.msk [tilespmem:v33+s2+$0x0], $0xffff  }
0x7a: {  	[tilespmem:v24+s18+$0x0] =	vst.idx.add.f32.msk $0xffff, v26  }
0x7b: {  	v34 =	vadd.s32 $0x2710, v21;
	v32 =	vmul.f32 v32, v20;
	v31 =	vand.u32 $0xFFFF, v23;
	v33 =	vld.idx.msk [tilespmem:v25+s2+$0x0], $0xffff  }
0x7c: {  	v37 =	vadd.s32 $0x4E20, v5;
	v24 =	vshrl.u32 v23, $0x10;
	v25 =	vadd.s32 $0x2710, v31;
	v38 =	vld.idx.msk [tilespmem:v16+s2+$0x0], $0xffff;
	v16 =	vmovc v22  }
0x7d: {  	s22 =	sadd.s32 $0x20, s22;
	v26 =	vadd.s32 $0x2710, v24;
	v22 =	vadd.s32 $0x4E20, v31;
	v23 =	vmul.f32 $9.999999770e-03, v32;
	v39 =	vld.idx.msk [tilespmem:v14+s2+$0x0], $0xffff  }
0x7e: {  	v43 =	vmax.f32 v28, v30;
	v40 =	vadd.s32 $0x4E20, v24;
	v41 =	vadd.s32 $0x7530, v31;
	v42 =	vld [tilespmem:s22+$0x0]  }
0x7f: {  	v44 =	vadd.s32 $0x7530, v6;
	v6 =	vmovc v21;
	v28 =	vmax.f32 v32, v23;
	v32 =	vmul.f32 v29, v3;
	v3 =	vmovc v20;
	v17 =	vld [tilespmem:s22+$0xFFFFFFF0]  }
0x80: {  	v23 =	vadd.s32 $0x7530, v24;
	[tilespmem:v34+s18+$0x0] =	vst.idx.add.f32.msk $0xffff, v28  }
0x81: {  	v20 =	vmul.f32 v33, v4;
	v28 =	vmul.f32 $9.999999770e-03, v32;
	v29 =	vld.idx.msk [tilespmem:v37+s2+$0x0], $0xffff  }
.Ltmp1:
0x82: {  	v37 =	vmul.f32 v38, v2;
	v30 =	vld.idx.msk [tilespmem:v31+s2+$0x0], $0xffff;
	(pc) =	sbr.rel @p0 .LBB2_6-.Ltmp1, $4  }
0x83: {  	v21 =	vshrl.u32 v35, $0x10;
	v28 =	vmax.f32 v32, v28;
	v33 =	vmul.f32 v39, v42;
	[tilespmem:v12+s18+$0x0] =	vst.idx.add.f32.msk $0xffff, v27  }
0x84: {  	v32 =	vadd.s32 $0x2710, v14;
	v27 =	vmul.f32 $9.999999770e-03, v20;
	v35 =	vmul.f32 $9.999999770e-03, v37;
	v12 =	vmovc v11;
	v11 =	vmovc v19;
	[tilespmem:v44+s18+$0x0] =	vst.idx.add.f32.msk $0xffff, v28  }
0x85: {  	v19 =	vmovc v40;
	v34 =	vmul.f32 $9.999999770e-03, v33;
	v28 =	vld.idx.msk [tilespmem:v10+s2+$0x0], $0xffff;
	v10 =	vmovc v13;
	v13 =	vmov v18;
	v18 =	vmov v41  }
0x86: {  	s24 =	sadd.s32 $0x20, s24;
	v31 =	vmax.f32 v20, v27;
	v27 =	vmax.f32 v37, v35;
	v20 =	vmov v42;
	[tilespmem:v36+s18+$0x0] =	vst.idx.add.f32.msk $0xffff, v43  }
0x87: {  	_ =	sdelay $0x1  }
0x88: {  	v30 =	vmul.f32 v30, v17  }
0x89: {  	v33 =	vmax.f32 v33, v34  }
0x8a: {  	[tilespmem:v21+s18+$0x0] =	vst.idx.add.f32.msk $0xffff, v33;
	v40 =	vmul.f32 $9.999999770e-03, v30  }
0x8b: {  	v32 =	vld.idx.msk [tilespmem:v32+s2+$0x0], $0xffff  }
0x8c: {  	v30 =	vmax.f32 v30, v40  }
0x8d: {  	[tilespmem:v24+s18+$0x0] =	vst.idx.add.f32.msk $0xffff, v30  }
0x8e: {  	v24 =	vld.idx.msk [tilespmem:v25+s2+$0x0], $0xffff;
	_ =	sdelay $0x1  }
0x8f: {  	v41 =	vadd.s32 $0x2710, v21;
	v42 =	vmul.f32 v32, v20  }
0x90: {  	v43 =	vadd.s32 $0x4E20, v14  }
0x91: {  	v44 =	vmul.f32 $9.999999770e-03, v42  }
0x92: {  	[tilespmem:v15+s18+$0x0] =	vst.idx.add.f32.msk $0xffff, v31;
	v24 =	vmul.f32 v24, v17  }
0x93: {  	v15 =	vld.idx.msk [tilespmem:v16+s2+$0x0], $0xffff;
	v30 =	vmax.f32 v42, v44  }
0x94: {  	[tilespmem:v41+s18+$0x0] =	vst.idx.add.f32.msk $0xffff, v30;
	v45 =	vmul.f32 $9.999999770e-03, v24  }
0x95: {  	v25 =	vld.idx.msk [tilespmem:v43+s2+$0x0], $0xffff  }
0x96: {  	v47 =	vmax.f32 v24, v45  }
0x97: {  	v46 =	vadd.s32 $0x4E20, v6;
	v29 =	vmul.f32 v29, v3;
	[tilespmem:v26+s18+$0x0] =	vst.idx.add.f32.msk $0xffff, v47  }
0x98: {  	v5 =	vadd.s32 $0x7530, v5;
	v16 =	vld.idx.msk [tilespmem:v22+s2+$0x0], $0xffff  }
0x99: {  	v48 =	vmul.f32 $9.999999770e-03, v29;
	v15 =	vmul.f32 v15, v4  }
0x9a: {  	v50 =	vadd.s32 $0x4E20, v21;
	[tilespmem:v12+s18+$0x0] =	vst.idx.add.f32.msk $0xffff, v27;
	v25 =	vmul.f32 v25, v20  }
0x9b: {  	v51 =	vadd.s32 $0x7530, v14;
	v10 =	vld.idx.msk [tilespmem:v10+s2+$0x0], $0xffff;
	v49 =	vmax.f32 v29, v48;
	v53 =	vmul.f32 $9.999999770e-03, v15  }
0x9c: {  	[tilespmem:v46+s18+$0x0] =	vst.idx.add.f32.msk $0xffff, v49;
	v52 =	vmul.f32 $9.999999770e-03, v25  }
0x9d: {  	v5 =	vld.idx.msk [tilespmem:v5+s2+$0x0], $0xffff;
	v12 =	vmax.f32 v15, v53;
	v16 =	vmul.f32 v16, v17  }
0x9e: {  	[tilespmem:v11+s18+$0x0] =	vst.idx.add.f32.msk $0xffff, v12;
	v22 =	vmax.f32 v25, v52  }
0x9f: {  	[tilespmem:v50+s18+$0x0] =	vst.idx.add.f32.msk $0xffff, v22;
	v54 =	vmul.f32 $9.999999770e-03, v16  }
0xa0: {  	v14 =	vld.idx.msk [tilespmem:v51+s2+$0x0], $0xffff  }
0xa1: {  	v11 =	vld.idx.msk [tilespmem:v13+s2+$0x0], $0xffff;
	v55 =	vmax.f32 v16, v54  }
0xa2: {  	[tilespmem:v19+s18+$0x0] =	vst.idx.add.f32.msk $0xffff, v55  }
0xa3: {  	v56 =	vadd.s32 $0x7530, v6;
	v3 =	vmul.f32 v5, v3;
	v57 =	vld.idx.msk [tilespmem:v18+s2+$0x0], $0xffff  }
0xa4: {  	v1 =	vmul.f32 v28, v1  }
0xa5: {  	v59 =	vadd.s32 $0x7530, v21;
	v58 =	vmul.f32 $9.999999770e-03, v3;
	v14 =	vmul.f32 v14, v20  }
0xa6: {  	v60 =	vmul.f32 $9.999999770e-03, v1;
	v2 =	vmul.f32 v10, v2  }
0xa7: {  	v3 =	vmax.f32 v3, v58;
	v62 =	vmul.f32 v11, v4;
	v61 =	vmul.f32 $9.999999770e-03, v14  }
0xa8: {  	v1 =	vmax.f32 v1, v60;
	[tilespmem:v56+s18+$0x0] =	vst.idx.add.f32.msk $0xffff, v3;
	v3 =	vmul.f32 $9.999999770e-03, v2;
	v5 =	vmul.f32 v57, v17  }
0xa9: {  	[tilespmem:v7+s18+$0x0] =	vst.idx.add.f32.msk $0xffff, v1;
	v63 =	vmul.f32 $9.999999770e-03, v62;
	v1 =	vmax.f32 v14, v61  }
0xaa: {  	v2 =	vmax.f32 v2, v3;
	[tilespmem:v59+s18+$0x0] =	vst.idx.add.f32.msk $0xffff, v1;
	v1 =	vmul.f32 $9.999999770e-03, v5  }
0xab: {  	[tilespmem:v8+s18+$0x0] =	vst.idx.add.f32.msk $0xffff, v2;
	v2 =	vmax.f32 v62, v63  }
0xac: {  	[tilespmem:v9+s18+$0x0] =	vst.idx.add.f32.msk $0xffff, v2;
	v1 =	vmax.f32 v5, v1  }
0xad: {  	[tilespmem:v23+s18+$0x0] =	vst.idx.add.f32.msk $0xffff, v1  }
0xae: {  	p0 =	seq.s32 s21, $0x28  }
.Ltmp2:
0xaf: {  	_ = 	snop;
	(pc) =	sbr.rel @!p0 .LBB2_5-.Ltmp2, $2  }
0xb0: {  	_ =	sdelay $0x2  }
0xb1: {  	v2 =	vimm.f32 $-Inf;
	s22 =	simm.s32 $0x0  }
0xb2: {  	s23 =	sshra.s32 s22, $0x2  }
0xb3: {  	s21 =	sadd.s32 $0x40, s22;
	v1 =	vimm.f32 $-Inf;
	v3 =	vld [tilespmem:s23+$0x9C80]  }
.LBB2_9:
0xb4: {  	p0 =	sne.s32 s21, $0x9C00  }
.Ltmp3:
0xb5: {  	_ = 	snop;
	(pc) =	sbr.rel @p0 .LBB2_9-.Ltmp3, $3  }
0xb6: {  	_ =	sdelay $0x1  }
0xb7: {  	s22 =	sshra.s32 s21, $0x2;
	s21 =	sadd.s32 $0x40, s21;
	v1 =	vmax.f32 v1, v3  }
0xb8: {  	v3 =	vld [tilespmem:s22+$0x9C80]  }
0xb9: {  	_ =	sdelay $0x2  }
0xba: {  	s22 =	simm.s32 $0x0  }
0xbb: {  	v1 =	vmax.f32 v1, v3;
	v3 =	vld [tilespmem:s22+$0x0];
	_ =	sdelay $0x3  }
0xbc: {  	s21 =	simm.s32 $0x40  }
.LBB2_11:
0xbd: {  	s22 =	sshra.s32 s21, $0x2;
	p0 =	sne.s32 s21, $0x9C00;
	s21 =	sadd.s32 $0x40, s21;
	v2 =	vmax.f32 v2, v3  }
.Ltmp4:
0xbe: {  	v3 =	vld [tilespmem:s22+$0x0];
	(pc) =	sbr.rel @p0 .LBB2_11-.Ltmp4, $1  }
0xbf: {  	_ =	sdelay $0x3  }
0xc0: {  	s21 =	simm.s32 $0x0  }
0xc1: {  	v2 =	vmax.f32 v2, v3;
	v4 =	vimm.f32 $-Inf;
	s22 =	simm.s32 $0x40;
	v3 =	vimm.f32 $-Inf;
	v5 =	vld [tilespmem:s21+$0xC390]  }
.LBB2_13:
0xc2: {  	p0 =	sne.s32 s22, $0x9C00  }
.Ltmp5:
0xc3: {  	_ = 	snop;
	(pc) =	sbr.rel @p0 .LBB2_13-.Ltmp5, $3  }
0xc4: {  	_ =	sdelay $0x1  }
0xc5: {  	s23 =	sshra.s32 s22, $0x2;
	s22 =	sadd.s32 $0x40, s22;
	v3 =	vmax.f32 v3, v5  }
0xc6: {  	v5 =	vld [tilespmem:s23+$0xC390]  }
0xc7: {  	_ =	sdelay $0x3  }
0xc8: {  	v3 =	vmax.f32 v3, v5;
	v5 =	vld [tilespmem:s21+$0x2710];
	_ =	sdelay $0x3  }
0xc9: {  	s22 =	simm.s32 $0x40  }
.LBB2_15:
0xca: {  	s21 =	sshra.s32 s22, $0x2;
	p0 =	sne.s32 s22, $0x9C00;
	s22 =	sadd.s32 $0x40, s22;
	v4 =	vmax.f32 v4, v5  }
.Ltmp6:
0xcb: {  	v5 =	vld [tilespmem:s21+$0x2710];
	(pc) =	sbr.rel @p0 .LBB2_15-.Ltmp6, $1  }
0xcc: {  	_ =	sdelay $0x3  }
0xcd: {  	s21 =	simm.s32 $0x0  }
0xce: {  	v4 =	vmax.f32 v4, v5;
	v6 =	vimm.f32 $-Inf;
	s22 =	simm.s32 $0x40;
	v5 =	vimm.f32 $-Inf;
	v7 =	vld [tilespmem:s21+$0xEAA0]  }
.LBB2_17:
0xcf: {  	p0 =	sne.s32 s22, $0x9C00  }
.Ltmp7:
0xd0: {  	_ = 	snop;
	(pc) =	sbr.rel @p0 .LBB2_17-.Ltmp7, $3  }
0xd1: {  	_ =	sdelay $0x1  }
0xd2: {  	s23 =	sshra.s32 s22, $0x2;
	s22 =	sadd.s32 $0x40, s22;
	v5 =	vmax.f32 v5, v7  }
0xd3: {  	v7 =	vld [tilespmem:s23+$0xEAA0]  }
0xd4: {  	_ =	sdelay $0x3  }
0xd5: {  	v5 =	vmax.f32 v5, v7;
	v7 =	vld [tilespmem:s21+$0x4E20];
	_ =	sdelay $0x3  }
0xd6: {  	s22 =	simm.s32 $0x40  }
.LBB2_19:
0xd7: {  	s21 =	sshra.s32 s22, $0x2;
	p0 =	sne.s32 s22, $0x9C00;
	s22 =	sadd.s32 $0x40, s22;
	v6 =	vmax.f32 v6, v7  }
.Ltmp8:
0xd8: {  	v7 =	vld [tilespmem:s21+$0x4E20];
	(pc) =	sbr.rel @p0 .LBB2_19-.Ltmp8, $1  }
0xd9: {  	_ =	sdelay $0x3  }
0xda: {  	s21 =	simm.s32 $0x0  }
0xdb: {  	v6 =	vmax.f32 v6, v7;
	v7 =	vimm.f32 $-Inf;
	s22 =	simm.s32 $0x40;
	v8 =	vimm.f32 $-Inf;
	v9 =	vld [tilespmem:s21+$0x111B0]  }
.LBB2_21:
0xdc: {  	p0 =	sne.s32 s22, $0x9C00  }
.Ltmp9:
0xdd: {  	_ = 	snop;
	(pc) =	sbr.rel @p0 .LBB2_21-.Ltmp9, $3  }
0xde: {  	_ =	sdelay $0x1  }
0xdf: {  	s23 =	sshra.s32 s22, $0x2;
	s22 =	sadd.s32 $0x40, s22;
	v8 =	vmax.f32 v8, v9  }
0xe0: {  	v9 =	vld [tilespmem:s23+$0x111B0]  }
0xe1: {  	_ =	sdelay $0x3  }
0xe2: {  	s22 =	simm.s32 $0x40;
	v8 =	vmax.f32 v8, v9;
	v9 =	vld [tilespmem:s21+$0x7530]  }
.LBB2_23:
0xe3: {  	p0 =	sne.s32 s22, $0x9C00  }
.Ltmp10:
0xe4: {  	_ = 	snop;
	(pc) =	sbr.rel @p0 .LBB2_23-.Ltmp10, $3  }
0xe5: {  	_ =	sdelay $0x1  }
0xe6: {  	s21 =	sshra.s32 s22, $0x2;
	s22 =	sadd.s32 $0x40, s22;
	v7 =	vmax.f32 v7, v9  }
0xe7: {  	v9 =	vld [tilespmem:s21+$0x7530]  }
0xe8: {  	(xrf0) =	vmax.scan.msk.f32 $0xffff, v1  }
0xe9: {  	(xrf0) =	vmax.scan.msk.f32 $0xffff, v2  }
0xea: {  	(xrf0) =	vmax.scan.msk.f32 $0xffff, v3  }
0xeb: {  	(xrf0) =	vmax.scan.msk.f32 $0xffff, v4  }
0xec: {  	(xrf0) =	vmax.scan.msk.f32 $0xffff, v5  }
0xed: {  	v1 =	vmax.f32 v7, v9  }
0xee: {  	(xrf0) =	vmax.scan.msk.f32 $0xffff, v6;
	v2, _, _ =	vpop (xrf0)  }
0xef: {  	(xrf0) =	vmax.scan.msk.f32 $0xffff, v8;
	v3, _, _ =	vpop (xrf0);
	v2 =	vbroadcast v2, $0xF  }
0xf0: {  	(xrf0) =	vmax.scan.msk.f32 $0xffff, v1;
	v1, _, _ =	vpop (xrf0);
	v3 =	vbroadcast v3, $0xF  }
0xf1: {  	v4, _, _ =	vpop (xrf0);
	v2 =	vnsel vm0, $0x0, v2;
	v1 =	vbroadcast v1, $0xF  }
0xf2: {  	v5, _, _ =	vpop (xrf0);
	v2 =	vsel vm1, v2, v3  }
0xf3: {  	v1 =	vsel vm2, v2, v1;
	v2 =	vbroadcast v5, $0xF  }
0xf4: {  	v3 =	vbroadcast v4, $0xF  }
0xf5: {  	v61, _, _ =	vpop (xrf0)  }
0xf6: {  	v62, _, _ =	vpop (xrf0);
	v1 =	vsel vm3, v1, v3;
	v3 =	vbroadcast v61, $0xF  }
0xf7: {  	v1 =	vsel vm4, v1, v2;
	v63 =	vbroadcast v62, $0xF;
	v2, _, _ =	vpop (xrf0)  }
0xf8: {  	v1 =	vsel vm5, v1, v3;
	v2 =	vbroadcast v2, $0xF  }
0xf9: {  	s20 =	sadd.s32 $0x1, s20;
	v1 =	vsel vm6, v1, v63  }
0xfa: {  	p0 =	sne.s32 s20, s10;
	v1 =	vsel vm7, v1, v2  }
.Ltmp11:
0xfb: {  	[tilespmem:$0x1B600] =	vst v1;
	(pc) =	sbr.rel @p0 .LBB2_1-.Ltmp11, $4  }
0xfc: {  	[hbm4b:s9+s2] =	stream.linear.scatter [tilespmem:s19], [sflag:$0x2], $0x80, $0x38;
	[tilespmem:$0x1B680] =	vst v63  }
0xfd: {  	_ =	swait.ge [sflag:s11], $0x80  }
0xfe: {  	[sflag:s11] =	ssyncset.done $0x0  }
0xff: {  	[sflag:s11] =	ssyncadd.s32 $0xFFFFFF80  }
0x100: {  	_ =	sfence.sel $0x180000  }
0x101: {  	[bflag:$0x0] =	sbarrier.arrive $0xFFFF  }
0x102: {  	p0 =	sne.s32 s1, $0x0;
	_ =	strace $0x9000004A  }
0x103: {  	s0 =	sadd.s32 @!p0 $0x100000, s0;
	[bflag:$0x2] =	sbarrier.arrive $0xFFFF  }
0x104: {  	[sflag:s0] =	ssyncadd.tile.s32 @!p0 $0x1;
	_ =	shalt  }
.Lfunc_end2:
_tile_overlayer_lowered:
.L_overlay_start_2:
0x105: {  	(tag) =	ssettag $0x2  }
0x106: {  	s0 =	rddreg [dreg:$0x0];
	s2 =	stileid.u32  }
0x107: {  	s1 =	rddreg [dreg:$0x1];
	p0 =	sne.s32 s2, $0x0  }
0x108: {  	s3 =	rddreg [dreg:$0x2];
	[bflag:$0x3] =	sbarrier.arrive $0xFFFF;
	s2 =	simm.s32 @!p0 $0x1C02  }
0x109: {  	[timem:s3], [sflag:s2] =	dma.local @!p0 [hbm:s0], s1  }
0x10a: {  	s0 =	simm.s32 @!p0 $0x2  }
0x10b: {  	_ =	swait.ge @!p0 [sflag:s0], s1  }
0x10c: {  	s1 =	ssub.s32 @!p0 $0x0, s1;
	[sflag:s0] =	ssyncset.done @!p0 $0x0  }
0x10d: {  	[sflag:s0] =	ssyncadd.s32 @!p0 s1  }
0x10e: {  	[bflag:$0x3] =	sbarrier.arrive $0xFFFF  }
0x10f: {  	_ =	shalt  }

</sc_bundles>
